<compile_context>
chip_gen: v7x
topology: tpu7x:2x2x1
jax: 0.10.2.dev20260603
libtpu: 0.0.44.dev20260713+nightly
codegen_flags: <defaults>
</compile_context>

<pallas_src>
import functools

import jax
import jax.numpy as jnp
from jax import lax
from jax.experimental import pallas as pl
from jax.experimental.pallas import tpu as pltpu
from jax.experimental.pallas import tpu_sc as plsc

_NC = 2
_NS = 16
_NW = _NC * _NS
_IDX_CHUNK = 128
_ROW = 128


def _tp_body(x_ref, o_ref, y_ref):
    d, bc = x_ref.shape
    pack = _ROW // d
    y_ref[...] = x_ref[...].T
    o_ref[...] = jnp.concatenate(
        [y_ref[pl.Slice(a, bc // pack, pack), :] for a in range(pack)], axis=1)


def _transpose_pack(tab_t, block_cols):
    d, n = tab_t.shape
    pack = _ROW // d
    grid = (pl.cdiv(n, block_cols),)
    return pl.pallas_call(
        _tp_body,
        grid=grid,
        in_specs=[pl.BlockSpec((d, block_cols), lambda i: (0, i))],
        out_specs=pl.BlockSpec((block_cols // pack, _ROW), lambda i: (i, 0)),
        out_shape=jax.ShapeDtypeStruct((n // pack, _ROW), jnp.float32),
        scratch_shapes=[pltpu.VMEM((block_cols, d), jnp.float32)],
    )(tab_t)


def _sc_gather(uidx3, gidx3, utab128, gtab128):
    rows_per_w = uidx3.shape[1]
    bpw = rows_per_w * _IDX_CHUNK
    half = bpw // 2
    b = _NW * bpw

    @functools.partial(
        pl.kernel,
        mesh=plsc.VectorSubcoreMesh(core_axis_name="c", subcore_axis_name="s"),
        out_type=[
            jax.ShapeDtypeStruct((b, _ROW), jnp.float32),
            jax.ShapeDtypeStruct((b, _ROW), jnp.float32),
        ],
        scratch_types=[
            pltpu.VMEM((rows_per_w, _IDX_CHUNK), jnp.int32),
            pltpu.VMEM((rows_per_w, _IDX_CHUNK), jnp.int32),
            pltpu.VMEM((bpw, _ROW), jnp.float32),
            pltpu.VMEM((half, _ROW), jnp.float32),
            pltpu.SemaphoreType.DMA,
            pltpu.SemaphoreType.DMA,
        ],
    )
    def gather_kernel(uidx_hbm, gidx_hbm, utab_hbm, gtab_hbm, uout_hbm, gout_hbm,
                      uidx, gidx, ubuf, gbuf, semu, semg):
        wid = lax.axis_index("s") * _NC + lax.axis_index("c")
        pltpu.sync_copy(uidx_hbm.at[wid], uidx)
        pltpu.sync_copy(gidx_hbm.at[wid], gidx)
        ucopies = [
            pltpu.async_copy(utab_hbm.at[uidx.at[j]],
                             ubuf.at[pl.ds(j * _IDX_CHUNK, _IDX_CHUNK)], semu)
            for j in range(rows_per_w)
        ]
        for wave in range(2):
            gcopies = [
                pltpu.async_copy(
                    gtab_hbm.at[gidx.at[wave * (rows_per_w // 2) + j]],
                    gbuf.at[pl.ds(j * _IDX_CHUNK, _IDX_CHUNK)], semg)
                for j in range(rows_per_w // 2)
            ]
            for c in gcopies:
                c.wait()
            pltpu.sync_copy(gbuf, gout_hbm.at[pl.ds(wid * bpw + wave * half, half)])
        for c in ucopies:
            c.wait()
        pltpu.sync_copy(ubuf, uout_hbm.at[pl.ds(wid * bpw, bpw)])

    return gather_kernel(uidx3, gidx3, utab128, gtab128)


def _mlp_body(ur_ref, gr_ref, remu_ref, remg_ref, ab_ref, sb_ref, iv_ref,
              at_ref, st_ref,
              w0u_ref, w0g_ref, w0a_ref, w0s_ref, w0i_ref, b0_ref,
              w1_ref, b1_ref, w2_ref, b2_ref, out_ref):
    f32 = jnp.float32
    tile = ur_ref.shape[0]
    dot = functools.partial(jnp.dot, preferred_element_type=f32)

    ulane = lax.broadcasted_iota(jnp.int32, (tile, _ROW), 1) // 32
    mu = (ulane == remu_ref[...]).astype(f32)
    glane = lax.broadcasted_iota(jnp.int32, (tile, _ROW), 1) // 8
    mg = (glane == remg_ref[...]).astype(f32)

    a_onehot = (ab_ref[...] == lax.broadcasted_iota(jnp.int32, (tile, 16), 1)
                ).astype(f32)
    s_onehot = (sb_ref[...] == lax.broadcasted_iota(jnp.int32, (tile, 16), 1)
                ).astype(f32)
    a_fold = dot(at_ref[...], w0a_ref[...])
    s_fold = dot(st_ref[...], w0s_ref[...])

    h = (dot(ur_ref[...] * mu, w0u_ref[...])
         + dot(gr_ref[...] * mg, w0g_ref[...])
         + dot(iv_ref[...], w0i_ref[...])
         + dot(a_onehot, a_fold)
         + dot(s_onehot, s_fold)
         + b0_ref[...])
    h = jnp.maximum(h, 0.0)
    h = jnp.maximum(dot(h, w1_ref[...]) + b1_ref[...], 0.0)
    o = dot(h, w2_ref[...]) + b2_ref[...]
    n2 = jnp.sum(o * o, axis=1, keepdims=True)
    out_ref[...] = o * lax.rsqrt(jnp.maximum(n2, 1e-24))


def _tc_mlp(urows, grows, rem_u, rem_g, age_b, sched_b, interest,
            age_pad, sched_pad,
            W0u_t, W0g_t, W0a, W0s, W0i, b0, W1, b1, W2, b2):
    b = urows.shape[0]
    tile = 2048
    grid = (b // tile,)
    d_out = W2.shape[1]

    def rowblk(cols):
        return pl.BlockSpec((tile, cols), lambda i: (i, 0))

    def full(shape):
        return pl.BlockSpec(shape, lambda i: (0, 0))

    return pl.pallas_call(
        _mlp_body,
        grid=grid,
        in_specs=[
            rowblk(_ROW),
            rowblk(_ROW),
            rowblk(1),
            rowblk(1),
            rowblk(1),
            rowblk(1),
            rowblk(interest.shape[1]),
            full(age_pad.shape),
            full(sched_pad.shape),
            full(W0u_t.shape),
            full(W0g_t.shape),
            full(W0a.shape),
            full(W0s.shape),
            full(W0i.shape),
            full(b0.shape),
            full(W1.shape),
            full(b1.shape),
            full(W2.shape),
            full(b2.shape),
        ],
        out_specs=rowblk(d_out),
        out_shape=jax.ShapeDtypeStruct((b, d_out), jnp.float32),
    )(urows, grows, rem_u, rem_g, age_b, sched_b, interest,
      age_pad, sched_pad,
      W0u_t, W0g_t, W0a, W0s, W0i, b0, W1, b1, W2, b2)


def kernel(user_ids, geo_cells, age_buckets, schedule_types, interest_vectors,
           user_table, geo_table, age_table, sched_table,
           W0, b0, W1, b1, W2, b2):
    du = user_table.shape[1]
    dg = geo_table.shape[1]
    upack = _ROW // du
    gpack = _ROW // dg

    uid = user_ids.astype(jnp.int32)
    gid = geo_cells.astype(jnp.int32)
    rows_per_w = uid.shape[0] // (_NW * _IDX_CHUNK)
    uidx3 = (uid // upack).reshape(_NW, rows_per_w, _IDX_CHUNK)
    gidx3 = (gid // gpack).reshape(_NW, rows_per_w, _IDX_CHUNK)
    utab128 = _transpose_pack(user_table.T, 16384)
    gtab128 = _transpose_pack(geo_table.T, 4096)
    urows, grows = _sc_gather(uidx3, gidx3, utab128, gtab128)

    da = age_table.shape[1]
    ds_ = sched_table.shape[1]
    di = interest_vectors.shape[1]
    o1 = du
    o2 = o1 + dg
    o3 = o2 + da
    o4 = o3 + ds_
    W0u_t = jnp.tile(W0[:o1], (upack, 1))
    W0g_t = jnp.tile(W0[o1:o2], (gpack, 1))
    W0a = W0[o2:o3]
    W0s = W0[o3:o4]
    W0i = W0[o4:o4 + di]

    age_pad = jnp.zeros((16, da), jnp.float32).at[:age_table.shape[0]].set(age_table)
    sched_pad = jnp.zeros((16, ds_), jnp.float32).at[:sched_table.shape[0]].set(sched_table)

    return _tc_mlp(
        urows, grows,
        (uid % upack).reshape(-1, 1),
        (gid % gpack).reshape(-1, 1),
        age_buckets.astype(jnp.int32).reshape(-1, 1),
        schedule_types.astype(jnp.int32).reshape(-1, 1),
        interest_vectors,
        age_pad, sched_pad,
        W0u_t, W0g_t, W0a, W0s, W0i,
        b0.reshape(1, -1), W1, b1.reshape(1, -1), W2, b2.reshape(1, -1))

# --- scband reference (transcript-rebuilt; emitter-appended) ---
"""Pipeline reference for scband-user-tower-18966575579761 (READ-ONLY COPY).

The authoritative reference and input builder live on the scoring server;
editing this copy changes nothing except your own understanding.
"""

import jax, jax.numpy as jnp
import numpy as np

N_USERS = 1000000
N_GEO = 100000
N_AGE = 10
N_SCHED = 8
INTEREST_DIM = 64
EMBED_DIM = 64
BATCH = 16384
HIDDEN = [256, 128]


def setup_inputs(seed: int = 0) -> dict:
    key = jax.random.key(seed)
    ks = jax.random.split(key, 16)
    user_ids = jax.random.randint(ks[0], (BATCH,), 0, N_USERS, dtype=jnp.int64 if jax.config.jax_enable_x64 else jnp.int32)
    geo_cells = jax.random.randint(ks[1], (BATCH,), 0, N_GEO, dtype=jnp.int32)
    age_buckets = jax.random.randint(ks[2], (BATCH,), 0, N_AGE, dtype=jnp.int32)
    schedule_types = jax.random.randint(ks[3], (BATCH,), 0, N_SCHED, dtype=jnp.int32)
    interest_vectors = jax.random.normal(ks[4], (BATCH, INTEREST_DIM), dtype=jnp.float32)
    # embedding tables (torch nn.Embedding default init ~ N(0,1))
    user_table = jax.random.normal(ks[5], (N_USERS, EMBED_DIM // 2), dtype=jnp.float32)
    geo_table = jax.random.normal(ks[6], (N_GEO, 8), dtype=jnp.float32)
    age_table = jax.random.normal(ks[7], (N_AGE, 4), dtype=jnp.float32)
    sched_table = jax.random.normal(ks[8], (N_SCHED, 4), dtype=jnp.float32)
    mlp_in = EMBED_DIM // 2 + 8 + 4 + 4 + INTEREST_DIM  # 112
    dims = [mlp_in] + HIDDEN + [EMBED_DIM]
    params = {}
    for i in range(len(dims) - 1):
        fan_in = dims[i]
        bound = 1.0 / np.sqrt(fan_in)
        params[f"W{i}"] = jax.random.uniform(ks[9 + i], (dims[i], dims[i + 1]), minval=-bound, maxval=bound, dtype=jnp.float32)
        params[f"b{i}"] = jax.random.uniform(ks[12 + i], (dims[i + 1],), minval=-bound, maxval=bound, dtype=jnp.float32)
    out = {
        "user_ids": user_ids,
        "geo_cells": geo_cells,
        "age_buckets": age_buckets,
        "schedule_types": schedule_types,
        "interest_vectors": interest_vectors,
        "user_table": user_table,
        "geo_table": geo_table,
        "age_table": age_table,
        "sched_table": sched_table,
    }
    out.update(params)
    return out


def reference(user_ids, geo_cells, age_buckets, schedule_types, interest_vectors,
              user_table, geo_table, age_table, sched_table,
              W0, b0, W1, b1, W2, b2):
    user_emb = jnp.take(user_table, user_ids, axis=0)
    geo_emb = jnp.take(geo_table, geo_cells, axis=0)
    age_emb = jnp.take(age_table, age_buckets, axis=0)
    sched_emb = jnp.take(sched_table, schedule_types, axis=0)
    x = jnp.concatenate([user_emb, geo_emb, age_emb, sched_emb, interest_vectors], axis=-1)
    # MLP (dropout is identity in eval mode)
    h = jax.nn.relu(x @ W0 + b0)
    h = jax.nn.relu(h @ W1 + b1)
    out = h @ W2 + b2
    # F.normalize(p=2, dim=-1)
    norm = jnp.linalg.norm(out, ord=2, axis=-1, keepdims=True)
    return out / jnp.maximum(norm, 1e-12)

if __name__ == "__main__":
    import jax
    _d = setup_inputs()
    print(jax.jit(kernel)(*tuple(_d.values())))

</pallas_src>

<mosaic_0001>
#map = affine_map<(d0, d1) -> (0, 0, 0)>
#map1 = affine_map<(d0, d1) -> (0, 0)>
module attributes {stable_mosaic.version = 14 : i64} {
  func.func @gather_kernel(%arg0: i32, %arg1: i32, %arg2: memref<32x4x128xi32, #tpu.memory_space<hbm>>, %arg3: memref<32x4x128xi32, #tpu.memory_space<hbm>>, %arg4: memref<250000x128xf32, #tpu.memory_space<hbm>>, %arg5: memref<6250x128xf32, #tpu.memory_space<hbm>>, %arg6: memref<16384x128xf32, #tpu.memory_space<hbm>>, %arg7: memref<16384x128xf32, #tpu.memory_space<hbm>>, %arg8: memref<4x128xi32, #tpu.memory_space<vmem>>, %arg9: memref<4x128xi32, #tpu.memory_space<vmem>>, %arg10: memref<512x128xf32, #tpu.memory_space<vmem>>, %arg11: memref<256x128xf32, #tpu.memory_space<vmem>>, %arg12: memref<!tpu.dma_semaphore, #tpu.memory_space<semaphore_mem>>, %arg13: memref<!tpu.dma_semaphore, #tpu.memory_space<semaphore_mem>>) attributes {dimension_semantics = [#tpu.dimension_semantics<core_parallel>, #tpu.dimension_semantics<subcore_parallel>], iteration_bounds = array<i64: 2, 16>, scalar_prefetch = 0 : i64, scratch_operands = 6 : i64, tpu.core_type = #tpu.core_type<sc_vector_subcore>, window_params = [{transform_indices = #map}, {transform_indices = #map}, {transform_indices = #map1}, {transform_indices = #map1}, {transform_indices = #map1}, {transform_indices = #map1}]} {
    %mul3A = arith.constant 2 : i32
    %mul3A_0 = arith.muli %arg1, %mul3A : i32
    %add3A = arith.addi %mul3A_0, %arg0 : i32
    "tpu.region"() ({
      %run_scoped3A = tpu.sem_alloc : memref<!tpu.dma_semaphore, #tpu.memory_space<semaphore_mem>>
      %dma_start3A_169 = arith.constant 0 : i32
      %dma_start3A_170 = arith.constant 0 : i32
      %dma_start3A_171 = tpu.memref_slice %arg2[%add3A, %dma_start3A_169, %dma_start3A_170] : memref<32x4x128xi32, #tpu.memory_space<hbm>> -> memref<1x4x128xi32, #tpu.memory_space<hbm>>
      %dma_start3A_172 = tpu.memref_squeeze %dma_start3A_171 : memref<1x4x128xi32, #tpu.memory_space<hbm>> -> memref<4x128xi32, #tpu.memory_space<hbm>>
      %dma_start3A_173 = arith.constant 0 : i32
      %dma_start3A_174 = arith.constant 0 : i32
      %dma_start3A_175 = tpu.memref_slice %arg2[%add3A, %dma_start3A_173, %dma_start3A_174] : memref<32x4x128xi32, #tpu.memory_space<hbm>> -> memref<1x4x128xi32, #tpu.memory_space<hbm>>
      %dma_start3A_176 = tpu.memref_squeeze %dma_start3A_175 : memref<1x4x128xi32, #tpu.memory_space<hbm>> -> memref<4x128xi32, #tpu.memory_space<hbm>>
      tpu.enqueue_dma source(%dma_start3A_176 : memref<4x128xi32, #tpu.memory_space<hbm>>) target(%arg8 : memref<4x128xi32, #tpu.memory_space<vmem>>) target_semaphore(%run_scoped3A : memref<!tpu.dma_semaphore, #tpu.memory_space<semaphore_mem>>)
      %dma_wait3A_177 = arith.constant 0 : i32
      %dma_wait3A_178 = arith.constant 0 : i32
      %dma_wait3A_179 = tpu.memref_slice %arg2[%add3A, %dma_wait3A_177, %dma_wait3A_178] : memref<32x4x128xi32, #tpu.memory_space<hbm>> -> memref<1x4x128xi32, #tpu.memory_space<hbm>>
      %dma_wait3A_180 = tpu.memref_squeeze %dma_wait3A_179 : memref<1x4x128xi32, #tpu.memory_space<hbm>> -> memref<4x128xi32, #tpu.memory_space<hbm>>
      %dma_wait3A_181 = arith.constant 0 : i32
      %dma_wait3A_182 = arith.constant 0 : i32
      %dma_wait3A_183 = tpu.memref_slice %arg2[%add3A, %dma_wait3A_181, %dma_wait3A_182] : memref<32x4x128xi32, #tpu.memory_space<hbm>> -> memref<1x4x128xi32, #tpu.memory_space<hbm>>
      %dma_wait3A_184 = tpu.memref_squeeze %dma_wait3A_183 : memref<1x4x128xi32, #tpu.memory_space<hbm>> -> memref<4x128xi32, #tpu.memory_space<hbm>>
      tpu.wait_dma2 semaphore(%run_scoped3A : memref<!tpu.dma_semaphore, #tpu.memory_space<semaphore_mem>>) src(%dma_wait3A_184 : memref<4x128xi32, #tpu.memory_space<hbm>>) dst(%arg8 : memref<4x128xi32, #tpu.memory_space<vmem>>)
      tpu.yield
    }) : () -> ()
    "tpu.region"() ({
      %run_scoped3A = tpu.sem_alloc : memref<!tpu.dma_semaphore, #tpu.memory_space<semaphore_mem>>
      %dma_start3A_169 = arith.constant 0 : i32
      %dma_start3A_170 = arith.constant 0 : i32
      %dma_start3A_171 = tpu.memref_slice %arg3[%add3A, %dma_start3A_169, %dma_start3A_170] : memref<32x4x128xi32, #tpu.memory_space<hbm>> -> memref<1x4x128xi32, #tpu.memory_space<hbm>>
      %dma_start3A_172 = tpu.memref_squeeze %dma_start3A_171 : memref<1x4x128xi32, #tpu.memory_space<hbm>> -> memref<4x128xi32, #tpu.memory_space<hbm>>
      %dma_start3A_173 = arith.constant 0 : i32
      %dma_start3A_174 = arith.constant 0 : i32
      %dma_start3A_175 = tpu.memref_slice %arg3[%add3A, %dma_start3A_173, %dma_start3A_174] : memref<32x4x128xi32, #tpu.memory_space<hbm>> -> memref<1x4x128xi32, #tpu.memory_space<hbm>>
      %dma_start3A_176 = tpu.memref_squeeze %dma_start3A_175 : memref<1x4x128xi32, #tpu.memory_space<hbm>> -> memref<4x128xi32, #tpu.memory_space<hbm>>
      tpu.enqueue_dma source(%dma_start3A_176 : memref<4x128xi32, #tpu.memory_space<hbm>>) target(%arg9 : memref<4x128xi32, #tpu.memory_space<vmem>>) target_semaphore(%run_scoped3A : memref<!tpu.dma_semaphore, #tpu.memory_space<semaphore_mem>>)
      %dma_wait3A_177 = arith.constant 0 : i32
      %dma_wait3A_178 = arith.constant 0 : i32
      %dma_wait3A_179 = tpu.memref_slice %arg3[%add3A, %dma_wait3A_177, %dma_wait3A_178] : memref<32x4x128xi32, #tpu.memory_space<hbm>> -> memref<1x4x128xi32, #tpu.memory_space<hbm>>
      %dma_wait3A_180 = tpu.memref_squeeze %dma_wait3A_179 : memref<1x4x128xi32, #tpu.memory_space<hbm>> -> memref<4x128xi32, #tpu.memory_space<hbm>>
      %dma_wait3A_181 = arith.constant 0 : i32
      %dma_wait3A_182 = arith.constant 0 : i32
      %dma_wait3A_183 = tpu.memref_slice %arg3[%add3A, %dma_wait3A_181, %dma_wait3A_182] : memref<32x4x128xi32, #tpu.memory_space<hbm>> -> memref<1x4x128xi32, #tpu.memory_space<hbm>>
      %dma_wait3A_184 = tpu.memref_squeeze %dma_wait3A_183 : memref<1x4x128xi32, #tpu.memory_space<hbm>> -> memref<4x128xi32, #tpu.memory_space<hbm>>
      tpu.wait_dma2 semaphore(%run_scoped3A : memref<!tpu.dma_semaphore, #tpu.memory_space<semaphore_mem>>) src(%dma_wait3A_184 : memref<4x128xi32, #tpu.memory_space<hbm>>) dst(%arg9 : memref<4x128xi32, #tpu.memory_space<vmem>>)
      tpu.yield
    }) : () -> ()
    %dma_start3A = arith.constant 0 : i32
    %dma_start3A_1 = arith.constant 0 : i32
    %dma_start3A_2 = arith.constant 0 : i32
    %dma_start3A_3 = tpu.memref_slice %arg10[%dma_start3A_1, %dma_start3A_2] : memref<512x128xf32, #tpu.memory_space<vmem>> -> memref<128x128xf32, #tpu.memory_space<vmem>>
    %dma_start3A_4 = arith.constant 0 : i32
    %dma_start3A_5 = tpu.memref_slice %arg8[%dma_start3A, %dma_start3A_4] : memref<4x128xi32, #tpu.memory_space<vmem>> -> memref<1x128xi32, #tpu.memory_space<vmem>>
    %dma_start3A_6 = tpu.memref_squeeze %dma_start3A_5 : memref<1x128xi32, #tpu.memory_space<vmem>> -> memref<128xi32, #tpu.memory_space<vmem>>
    %dma_start3A_7 = arith.constant 0 : i32
    %dma_start3A_8 = arith.constant 0 : i32
    %dma_start3A_9 = tpu.memref_slice %arg4[%dma_start3A_7, %dma_start3A_8] : memref<250000x128xf32, #tpu.memory_space<hbm>> -> memref<250000x128xf32, #tpu.memory_space<hbm>>
    tpu.enqueue_indirect_dma source(%dma_start3A_9 : memref<250000x128xf32, #tpu.memory_space<hbm>>) target(%dma_start3A_3 : memref<128x128xf32, #tpu.memory_space<vmem>>) offsets(%dma_start3A_6 : memref<128xi32, #tpu.memory_space<vmem>>) semaphore(%arg12 : memref<!tpu.dma_semaphore, #tpu.memory_space<semaphore_mem>>)
    %dma_start3A_10 = arith.constant 1 : i32
    %dma_start3A_11 = arith.constant 128 : i32
    %dma_start3A_12 = arith.constant 0 : i32
    %dma_start3A_13 = tpu.memref_slice %arg10[%dma_start3A_11, %dma_start3A_12] : memref<512x128xf32, #tpu.memory_space<vmem>> -> memref<128x128xf32, #tpu.memory_space<vmem>>
    %dma_start3A_14 = arith.constant 0 : i32
    %dma_start3A_15 = tpu.memref_slice %arg8[%dma_start3A_10, %dma_start3A_14] : memref<4x128xi32, #tpu.memory_space<vmem>> -> memref<1x128xi32, #tpu.memory_space<vmem>>
    %dma_start3A_16 = tpu.memref_squeeze %dma_start3A_15 : memref<1x128xi32, #tpu.memory_space<vmem>> -> memref<128xi32, #tpu.memory_space<vmem>>
    %dma_start3A_17 = arith.constant 0 : i32
    %dma_start3A_18 = arith.constant 0 : i32
    %dma_start3A_19 = tpu.memref_slice %arg4[%dma_start3A_17, %dma_start3A_18] : memref<250000x128xf32, #tpu.memory_space<hbm>> -> memref<250000x128xf32, #tpu.memory_space<hbm>>
    tpu.enqueue_indirect_dma source(%dma_start3A_19 : memref<250000x128xf32, #tpu.memory_space<hbm>>) target(%dma_start3A_13 : memref<128x128xf32, #tpu.memory_space<vmem>>) offsets(%dma_start3A_16 : memref<128xi32, #tpu.memory_space<vmem>>) semaphore(%arg12 : memref<!tpu.dma_semaphore, #tpu.memory_space<semaphore_mem>>)
    %dma_start3A_20 = arith.constant 2 : i32
    %dma_start3A_21 = arith.constant 256 : i32
    %dma_start3A_22 = arith.constant 0 : i32
    %dma_start3A_23 = tpu.memref_slice %arg10[%dma_start3A_21, %dma_start3A_22] : memref<512x128xf32, #tpu.memory_space<vmem>> -> memref<128x128xf32, #tpu.memory_space<vmem>>
    %dma_start3A_24 = arith.constant 0 : i32
    %dma_start3A_25 = tpu.memref_slice %arg8[%dma_start3A_20, %dma_start3A_24] : memref<4x128xi32, #tpu.memory_space<vmem>> -> memref<1x128xi32, #tpu.memory_space<vmem>>
    %dma_start3A_26 = tpu.memref_squeeze %dma_start3A_25 : memref<1x128xi32, #tpu.memory_space<vmem>> -> memref<128xi32, #tpu.memory_space<vmem>>
    %dma_start3A_27 = arith.constant 0 : i32
    %dma_start3A_28 = arith.constant 0 : i32
    %dma_start3A_29 = tpu.memref_slice %arg4[%dma_start3A_27, %dma_start3A_28] : memref<250000x128xf32, #tpu.memory_space<hbm>> -> memref<250000x128xf32, #tpu.memory_space<hbm>>
    tpu.enqueue_indirect_dma source(%dma_start3A_29 : memref<250000x128xf32, #tpu.memory_space<hbm>>) target(%dma_start3A_23 : memref<128x128xf32, #tpu.memory_space<vmem>>) offsets(%dma_start3A_26 : memref<128xi32, #tpu.memory_space<vmem>>) semaphore(%arg12 : memref<!tpu.dma_semaphore, #tpu.memory_space<semaphore_mem>>)
    %dma_start3A_30 = arith.constant 3 : i32
    %dma_start3A_31 = arith.constant 384 : i32
    %dma_start3A_32 = arith.constant 0 : i32
    %dma_start3A_33 = tpu.memref_slice %arg10[%dma_start3A_31, %dma_start3A_32] : memref<512x128xf32, #tpu.memory_space<vmem>> -> memref<128x128xf32, #tpu.memory_space<vmem>>
    %dma_start3A_34 = arith.constant 0 : i32
    %dma_start3A_35 = tpu.memref_slice %arg8[%dma_start3A_30, %dma_start3A_34] : memref<4x128xi32, #tpu.memory_space<vmem>> -> memref<1x128xi32, #tpu.memory_space<vmem>>
    %dma_start3A_36 = tpu.memref_squeeze %dma_start3A_35 : memref<1x128xi32, #tpu.memory_space<vmem>> -> memref<128xi32, #tpu.memory_space<vmem>>
    %dma_start3A_37 = arith.constant 0 : i32
    %dma_start3A_38 = arith.constant 0 : i32
    %dma_start3A_39 = tpu.memref_slice %arg4[%dma_start3A_37, %dma_start3A_38] : memref<250000x128xf32, #tpu.memory_space<hbm>> -> memref<250000x128xf32, #tpu.memory_space<hbm>>
    tpu.enqueue_indirect_dma source(%dma_start3A_39 : memref<250000x128xf32, #tpu.memory_space<hbm>>) target(%dma_start3A_33 : memref<128x128xf32, #tpu.memory_space<vmem>>) offsets(%dma_start3A_36 : memref<128xi32, #tpu.memory_space<vmem>>) semaphore(%arg12 : memref<!tpu.dma_semaphore, #tpu.memory_space<semaphore_mem>>)
    %dma_start3A_40 = arith.constant 0 : i32
    %dma_start3A_41 = arith.constant 0 : i32
    %dma_start3A_42 = arith.constant 0 : i32
    %dma_start3A_43 = tpu.memref_slice %arg11[%dma_start3A_41, %dma_start3A_42] : memref<256x128xf32, #tpu.memory_space<vmem>> -> memref<128x128xf32, #tpu.memory_space<vmem>>
    %dma_start3A_44 = arith.constant 0 : i32
    %dma_start3A_45 = tpu.memref_slice %arg9[%dma_start3A_40, %dma_start3A_44] : memref<4x128xi32, #tpu.memory_space<vmem>> -> memref<1x128xi32, #tpu.memory_space<vmem>>
    %dma_start3A_46 = tpu.memref_squeeze %dma_start3A_45 : memref<1x128xi32, #tpu.memory_space<vmem>> -> memref<128xi32, #tpu.memory_space<vmem>>
    %dma_start3A_47 = arith.constant 0 : i32
    %dma_start3A_48 = arith.constant 0 : i32
    %dma_start3A_49 = tpu.memref_slice %arg5[%dma_start3A_47, %dma_start3A_48] : memref<6250x128xf32, #tpu.memory_space<hbm>> -> memref<6250x128xf32, #tpu.memory_space<hbm>>
    tpu.enqueue_indirect_dma source(%dma_start3A_49 : memref<6250x128xf32, #tpu.memory_space<hbm>>) target(%dma_start3A_43 : memref<128x128xf32, #tpu.memory_space<vmem>>) offsets(%dma_start3A_46 : memref<128xi32, #tpu.memory_space<vmem>>) semaphore(%arg13 : memref<!tpu.dma_semaphore, #tpu.memory_space<semaphore_mem>>)
    %dma_start3A_50 = arith.constant 1 : i32
    %dma_start3A_51 = arith.constant 128 : i32
    %dma_start3A_52 = arith.constant 0 : i32
    %dma_start3A_53 = tpu.memref_slice %arg11[%dma_start3A_51, %dma_start3A_52] : memref<256x128xf32, #tpu.memory_space<vmem>> -> memref<128x128xf32, #tpu.memory_space<vmem>>
    %dma_start3A_54 = arith.constant 0 : i32
    %dma_start3A_55 = tpu.memref_slice %arg9[%dma_start3A_50, %dma_start3A_54] : memref<4x128xi32, #tpu.memory_space<vmem>> -> memref<1x128xi32, #tpu.memory_space<vmem>>
    %dma_start3A_56 = tpu.memref_squeeze %dma_start3A_55 : memref<1x128xi32, #tpu.memory_space<vmem>> -> memref<128xi32, #tpu.memory_space<vmem>>
    %dma_start3A_57 = arith.constant 0 : i32
    %dma_start3A_58 = arith.constant 0 : i32
    %dma_start3A_59 = tpu.memref_slice %arg5[%dma_start3A_57, %dma_start3A_58] : memref<6250x128xf32, #tpu.memory_space<hbm>> -> memref<6250x128xf32, #tpu.memory_space<hbm>>
    tpu.enqueue_indirect_dma source(%dma_start3A_59 : memref<6250x128xf32, #tpu.memory_space<hbm>>) target(%dma_start3A_53 : memref<128x128xf32, #tpu.memory_space<vmem>>) offsets(%dma_start3A_56 : memref<128xi32, #tpu.memory_space<vmem>>) semaphore(%arg13 : memref<!tpu.dma_semaphore, #tpu.memory_space<semaphore_mem>>)
    %dma_wait3A = arith.constant 0 : i32
    %dma_wait3A_60 = arith.constant 0 : i32
    %dma_wait3A_61 = arith.constant 0 : i32
    %dma_wait3A_62 = tpu.memref_slice %arg11[%dma_wait3A_60, %dma_wait3A_61] : memref<256x128xf32, #tpu.memory_space<vmem>> -> memref<128x128xf32, #tpu.memory_space<vmem>>
    %dma_wait3A_63 = arith.constant 0 : i32
    %dma_wait3A_64 = tpu.memref_slice %arg9[%dma_wait3A, %dma_wait3A_63] : memref<4x128xi32, #tpu.memory_space<vmem>> -> memref<1x128xi32, #tpu.memory_space<vmem>>
    %dma_wait3A_65 = tpu.memref_squeeze %dma_wait3A_64 : memref<1x128xi32, #tpu.memory_space<vmem>> -> memref<128xi32, #tpu.memory_space<vmem>>
    %dma_wait3A_66 = arith.constant 0 : i32
    %dma_wait3A_67 = arith.constant 0 : i32
    %dma_wait3A_68 = tpu.memref_slice %arg5[%dma_wait3A_66, %dma_wait3A_67] : memref<6250x128xf32, #tpu.memory_space<hbm>> -> memref<6250x128xf32, #tpu.memory_space<hbm>>
    tpu.wait_indirect_dma semaphore(%arg13 : memref<!tpu.dma_semaphore, #tpu.memory_space<semaphore_mem>>) src(%dma_wait3A_68 : memref<6250x128xf32, #tpu.memory_space<hbm>>) dst(%dma_wait3A_62 : memref<128x128xf32, #tpu.memory_space<vmem>>)
    %dma_wait3A_69 = arith.constant 1 : i32
    %dma_wait3A_70 = arith.constant 128 : i32
    %dma_wait3A_71 = arith.constant 0 : i32
    %dma_wait3A_72 = tpu.memref_slice %arg11[%dma_wait3A_70, %dma_wait3A_71] : memref<256x128xf32, #tpu.memory_space<vmem>> -> memref<128x128xf32, #tpu.memory_space<vmem>>
    %dma_wait3A_73 = arith.constant 0 : i32
    %dma_wait3A_74 = tpu.memref_slice %arg9[%dma_wait3A_69, %dma_wait3A_73] : memref<4x128xi32, #tpu.memory_space<vmem>> -> memref<1x128xi32, #tpu.memory_space<vmem>>
    %dma_wait3A_75 = tpu.memref_squeeze %dma_wait3A_74 : memref<1x128xi32, #tpu.memory_space<vmem>> -> memref<128xi32, #tpu.memory_space<vmem>>
    %dma_wait3A_76 = arith.constant 0 : i32
    %dma_wait3A_77 = arith.constant 0 : i32
    %dma_wait3A_78 = tpu.memref_slice %arg5[%dma_wait3A_76, %dma_wait3A_77] : memref<6250x128xf32, #tpu.memory_space<hbm>> -> memref<6250x128xf32, #tpu.memory_space<hbm>>
    tpu.wait_indirect_dma semaphore(%arg13 : memref<!tpu.dma_semaphore, #tpu.memory_space<semaphore_mem>>) src(%dma_wait3A_78 : memref<6250x128xf32, #tpu.memory_space<hbm>>) dst(%dma_wait3A_72 : memref<128x128xf32, #tpu.memory_space<vmem>>)
    %mul3A_79 = arith.constant 512 : i32
    %mul3A_80 = arith.muli %add3A, %mul3A_79 : i32
    %add3A_81 = arith.constant 0 : i32
    %add3A_82 = arith.addi %mul3A_80, %add3A_81 : i32
    "tpu.region"() ({
      %run_scoped3A = tpu.sem_alloc : memref<!tpu.dma_semaphore, #tpu.memory_space<semaphore_mem>>
      %dma_start3A_169 = arith.constant 0 : i32
      %dma_start3A_170 = tpu.memref_slice %arg7[%add3A_82, %dma_start3A_169] : memref<16384x128xf32, #tpu.memory_space<hbm>> -> memref<256x128xf32, #tpu.memory_space<hbm>>
      %dma_start3A_171 = arith.constant 0 : i32
      %dma_start3A_172 = tpu.memref_slice %arg7[%add3A_82, %dma_start3A_171] : memref<16384x128xf32, #tpu.memory_space<hbm>> -> memref<256x128xf32, #tpu.memory_space<hbm>>
      tpu.enqueue_dma source(%arg11 : memref<256x128xf32, #tpu.memory_space<vmem>>) target(%dma_start3A_172 : memref<256x128xf32, #tpu.memory_space<hbm>>) target_semaphore(%run_scoped3A : memref<!tpu.dma_semaphore, #tpu.memory_space<semaphore_mem>>)
      %dma_wait3A_173 = arith.constant 0 : i32
      %dma_wait3A_174 = tpu.memref_slice %arg7[%add3A_82, %dma_wait3A_173] : memref<16384x128xf32, #tpu.memory_space<hbm>> -> memref<256x128xf32, #tpu.memory_space<hbm>>
      %dma_wait3A_175 = arith.constant 0 : i32
      %dma_wait3A_176 = tpu.memref_slice %arg7[%add3A_82, %dma_wait3A_175] : memref<16384x128xf32, #tpu.memory_space<hbm>> -> memref<256x128xf32, #tpu.memory_space<hbm>>
      tpu.wait_dma2 semaphore(%run_scoped3A : memref<!tpu.dma_semaphore, #tpu.memory_space<semaphore_mem>>) src(%arg11 : memref<256x128xf32, #tpu.memory_space<vmem>>) dst(%dma_wait3A_176 : memref<256x128xf32, #tpu.memory_space<hbm>>)
      tpu.yield
    }) : () -> ()
    %dma_start3A_83 = arith.constant 2 : i32
    %dma_start3A_84 = arith.constant 0 : i32
    %dma_start3A_85 = arith.constant 0 : i32
    %dma_start3A_86 = tpu.memref_slice %arg11[%dma_start3A_84, %dma_start3A_85] : memref<256x128xf32, #tpu.memory_space<vmem>> -> memref<128x128xf32, #tpu.memory_space<vmem>>
    %dma_start3A_87 = arith.constant 0 : i32
    %dma_start3A_88 = tpu.memref_slice %arg9[%dma_start3A_83, %dma_start3A_87] : memref<4x128xi32, #tpu.memory_space<vmem>> -> memref<1x128xi32, #tpu.memory_space<vmem>>
    %dma_start3A_89 = tpu.memref_squeeze %dma_start3A_88 : memref<1x128xi32, #tpu.memory_space<vmem>> -> memref<128xi32, #tpu.memory_space<vmem>>
    %dma_start3A_90 = arith.constant 0 : i32
    %dma_start3A_91 = arith.constant 0 : i32
    %dma_start3A_92 = tpu.memref_slice %arg5[%dma_start3A_90, %dma_start3A_91] : memref<6250x128xf32, #tpu.memory_space<hbm>> -> memref<6250x128xf32, #tpu.memory_space<hbm>>
    tpu.enqueue_indirect_dma source(%dma_start3A_92 : memref<6250x128xf32, #tpu.memory_space<hbm>>) target(%dma_start3A_86 : memref<128x128xf32, #tpu.memory_space<vmem>>) offsets(%dma_start3A_89 : memref<128xi32, #tpu.memory_space<vmem>>) semaphore(%arg13 : memref<!tpu.dma_semaphore, #tpu.memory_space<semaphore_mem>>)
    %dma_start3A_93 = arith.constant 3 : i32
    %dma_start3A_94 = arith.constant 128 : i32
    %dma_start3A_95 = arith.constant 0 : i32
    %dma_start3A_96 = tpu.memref_slice %arg11[%dma_start3A_94, %dma_start3A_95] : memref<256x128xf32, #tpu.memory_space<vmem>> -> memref<128x128xf32, #tpu.memory_space<vmem>>
    %dma_start3A_97 = arith.constant 0 : i32
    %dma_start3A_98 = tpu.memref_slice %arg9[%dma_start3A_93, %dma_start3A_97] : memref<4x128xi32, #tpu.memory_space<vmem>> -> memref<1x128xi32, #tpu.memory_space<vmem>>
    %dma_start3A_99 = tpu.memref_squeeze %dma_start3A_98 : memref<1x128xi32, #tpu.memory_space<vmem>> -> memref<128xi32, #tpu.memory_space<vmem>>
    %dma_start3A_100 = arith.constant 0 : i32
    %dma_start3A_101 = arith.constant 0 : i32
    %dma_start3A_102 = tpu.memref_slice %arg5[%dma_start3A_100, %dma_start3A_101] : memref<6250x128xf32, #tpu.memory_space<hbm>> -> memref<6250x128xf32, #tpu.memory_space<hbm>>
    tpu.enqueue_indirect_dma source(%dma_start3A_102 : memref<6250x128xf32, #tpu.memory_space<hbm>>) target(%dma_start3A_96 : memref<128x128xf32, #tpu.memory_space<vmem>>) offsets(%dma_start3A_99 : memref<128xi32, #tpu.memory_space<vmem>>) semaphore(%arg13 : memref<!tpu.dma_semaphore, #tpu.memory_space<semaphore_mem>>)
    %dma_wait3A_103 = arith.constant 2 : i32
    %dma_wait3A_104 = arith.constant 0 : i32
    %dma_wait3A_105 = arith.constant 0 : i32
    %dma_wait3A_106 = tpu.memref_slice %arg11[%dma_wait3A_104, %dma_wait3A_105] : memref<256x128xf32, #tpu.memory_space<vmem>> -> memref<128x128xf32, #tpu.memory_space<vmem>>
    %dma_wait3A_107 = arith.constant 0 : i32
    %dma_wait3A_108 = tpu.memref_slice %arg9[%dma_wait3A_103, %dma_wait3A_107] : memref<4x128xi32, #tpu.memory_space<vmem>> -> memref<1x128xi32, #tpu.memory_space<vmem>>
    %dma_wait3A_109 = tpu.memref_squeeze %dma_wait3A_108 : memref<1x128xi32, #tpu.memory_space<vmem>> -> memref<128xi32, #tpu.memory_space<vmem>>
    %dma_wait3A_110 = arith.constant 0 : i32
    %dma_wait3A_111 = arith.constant 0 : i32
    %dma_wait3A_112 = tpu.memref_slice %arg5[%dma_wait3A_110, %dma_wait3A_111] : memref<6250x128xf32, #tpu.memory_space<hbm>> -> memref<6250x128xf32, #tpu.memory_space<hbm>>
    tpu.wait_indirect_dma semaphore(%arg13 : memref<!tpu.dma_semaphore, #tpu.memory_space<semaphore_mem>>) src(%dma_wait3A_112 : memref<6250x128xf32, #tpu.memory_space<hbm>>) dst(%dma_wait3A_106 : memref<128x128xf32, #tpu.memory_space<vmem>>)
    %dma_wait3A_113 = arith.constant 3 : i32
    %dma_wait3A_114 = arith.constant 128 : i32
    %dma_wait3A_115 = arith.constant 0 : i32
    %dma_wait3A_116 = tpu.memref_slice %arg11[%dma_wait3A_114, %dma_wait3A_115] : memref<256x128xf32, #tpu.memory_space<vmem>> -> memref<128x128xf32, #tpu.memory_space<vmem>>
    %dma_wait3A_117 = arith.constant 0 : i32
    %dma_wait3A_118 = tpu.memref_slice %arg9[%dma_wait3A_113, %dma_wait3A_117] : memref<4x128xi32, #tpu.memory_space<vmem>> -> memref<1x128xi32, #tpu.memory_space<vmem>>
    %dma_wait3A_119 = tpu.memref_squeeze %dma_wait3A_118 : memref<1x128xi32, #tpu.memory_space<vmem>> -> memref<128xi32, #tpu.memory_space<vmem>>
    %dma_wait3A_120 = arith.constant 0 : i32
    %dma_wait3A_121 = arith.constant 0 : i32
    %dma_wait3A_122 = tpu.memref_slice %arg5[%dma_wait3A_120, %dma_wait3A_121] : memref<6250x128xf32, #tpu.memory_space<hbm>> -> memref<6250x128xf32, #tpu.memory_space<hbm>>
    tpu.wait_indirect_dma semaphore(%arg13 : memref<!tpu.dma_semaphore, #tpu.memory_space<semaphore_mem>>) src(%dma_wait3A_122 : memref<6250x128xf32, #tpu.memory_space<hbm>>) dst(%dma_wait3A_116 : memref<128x128xf32, #tpu.memory_space<vmem>>)
    %mul3A_123 = arith.constant 512 : i32
    %mul3A_124 = arith.muli %add3A, %mul3A_123 : i32
    %add3A_125 = arith.constant 256 : i32
    %add3A_126 = arith.addi %mul3A_124, %add3A_125 : i32
    "tpu.region"() ({
      %run_scoped3A = tpu.sem_alloc : memref<!tpu.dma_semaphore, #tpu.memory_space<semaphore_mem>>
      %dma_start3A_169 = arith.constant 0 : i32
      %dma_start3A_170 = tpu.memref_slice %arg7[%add3A_126, %dma_start3A_169] : memref<16384x128xf32, #tpu.memory_space<hbm>> -> memref<256x128xf32, #tpu.memory_space<hbm>>
      %dma_start3A_171 = arith.constant 0 : i32
      %dma_start3A_172 = tpu.memref_slice %arg7[%add3A_126, %dma_start3A_171] : memref<16384x128xf32, #tpu.memory_space<hbm>> -> memref<256x128xf32, #tpu.memory_space<hbm>>
      tpu.enqueue_dma source(%arg11 : memref<256x128xf32, #tpu.memory_space<vmem>>) target(%dma_start3A_172 : memref<256x128xf32, #tpu.memory_space<hbm>>) target_semaphore(%run_scoped3A : memref<!tpu.dma_semaphore, #tpu.memory_space<semaphore_mem>>)
      %dma_wait3A_173 = arith.constant 0 : i32
      %dma_wait3A_174 = tpu.memref_slice %arg7[%add3A_126, %dma_wait3A_173] : memref<16384x128xf32, #tpu.memory_space<hbm>> -> memref<256x128xf32, #tpu.memory_space<hbm>>
      %dma_wait3A_175 = arith.constant 0 : i32
      %dma_wait3A_176 = tpu.memref_slice %arg7[%add3A_126, %dma_wait3A_175] : memref<16384x128xf32, #tpu.memory_space<hbm>> -> memref<256x128xf32, #tpu.memory_space<hbm>>
      tpu.wait_dma2 semaphore(%run_scoped3A : memref<!tpu.dma_semaphore, #tpu.memory_space<semaphore_mem>>) src(%arg11 : memref<256x128xf32, #tpu.memory_space<vmem>>) dst(%dma_wait3A_176 : memref<256x128xf32, #tpu.memory_space<hbm>>)
      tpu.yield
    }) : () -> ()
    %dma_wait3A_127 = arith.constant 0 : i32
    %dma_wait3A_128 = arith.constant 0 : i32
    %dma_wait3A_129 = arith.constant 0 : i32
    %dma_wait3A_130 = tpu.memref_slice %arg10[%dma_wait3A_128, %dma_wait3A_129] : memref<512x128xf32, #tpu.memory_space<vmem>> -> memref<128x128xf32, #tpu.memory_space<vmem>>
    %dma_wait3A_131 = arith.constant 0 : i32
    %dma_wait3A_132 = tpu.memref_slice %arg8[%dma_wait3A_127, %dma_wait3A_131] : memref<4x128xi32, #tpu.memory_space<vmem>> -> memref<1x128xi32, #tpu.memory_space<vmem>>
    %dma_wait3A_133 = tpu.memref_squeeze %dma_wait3A_132 : memref<1x128xi32, #tpu.memory_space<vmem>> -> memref<128xi32, #tpu.memory_space<vmem>>
    %dma_wait3A_134 = arith.constant 0 : i32
    %dma_wait3A_135 = arith.constant 0 : i32
    %dma_wait3A_136 = tpu.memref_slice %arg4[%dma_wait3A_134, %dma_wait3A_135] : memref<250000x128xf32, #tpu.memory_space<hbm>> -> memref<250000x128xf32, #tpu.memory_space<hbm>>
    tpu.wait_indirect_dma semaphore(%arg12 : memref<!tpu.dma_semaphore, #tpu.memory_space<semaphore_mem>>) src(%dma_wait3A_136 : memref<250000x128xf32, #tpu.memory_space<hbm>>) dst(%dma_wait3A_130 : memref<128x128xf32, #tpu.memory_space<vmem>>)
    %dma_wait3A_137 = arith.constant 1 : i32
    %dma_wait3A_138 = arith.constant 128 : i32
    %dma_wait3A_139 = arith.constant 0 : i32
    %dma_wait3A_140 = tpu.memref_slice %arg10[%dma_wait3A_138, %dma_wait3A_139] : memref<512x128xf32, #tpu.memory_space<vmem>> -> memref<128x128xf32, #tpu.memory_space<vmem>>
    %dma_wait3A_141 = arith.constant 0 : i32
    %dma_wait3A_142 = tpu.memref_slice %arg8[%dma_wait3A_137, %dma_wait3A_141] : memref<4x128xi32, #tpu.memory_space<vmem>> -> memref<1x128xi32, #tpu.memory_space<vmem>>
    %dma_wait3A_143 = tpu.memref_squeeze %dma_wait3A_142 : memref<1x128xi32, #tpu.memory_space<vmem>> -> memref<128xi32, #tpu.memory_space<vmem>>
    %dma_wait3A_144 = arith.constant 0 : i32
    %dma_wait3A_145 = arith.constant 0 : i32
    %dma_wait3A_146 = tpu.memref_slice %arg4[%dma_wait3A_144, %dma_wait3A_145] : memref<250000x128xf32, #tpu.memory_space<hbm>> -> memref<250000x128xf32, #tpu.memory_space<hbm>>
    tpu.wait_indirect_dma semaphore(%arg12 : memref<!tpu.dma_semaphore, #tpu.memory_space<semaphore_mem>>) src(%dma_wait3A_146 : memref<250000x128xf32, #tpu.memory_space<hbm>>) dst(%dma_wait3A_140 : memref<128x128xf32, #tpu.memory_space<vmem>>)
    %dma_wait3A_147 = arith.constant 2 : i32
    %dma_wait3A_148 = arith.constant 256 : i32
    %dma_wait3A_149 = arith.constant 0 : i32
    %dma_wait3A_150 = tpu.memref_slice %arg10[%dma_wait3A_148, %dma_wait3A_149] : memref<512x128xf32, #tpu.memory_space<vmem>> -> memref<128x128xf32, #tpu.memory_space<vmem>>
    %dma_wait3A_151 = arith.constant 0 : i32
    %dma_wait3A_152 = tpu.memref_slice %arg8[%dma_wait3A_147, %dma_wait3A_151] : memref<4x128xi32, #tpu.memory_space<vmem>> -> memref<1x128xi32, #tpu.memory_space<vmem>>
    %dma_wait3A_153 = tpu.memref_squeeze %dma_wait3A_152 : memref<1x128xi32, #tpu.memory_space<vmem>> -> memref<128xi32, #tpu.memory_space<vmem>>
    %dma_wait3A_154 = arith.constant 0 : i32
    %dma_wait3A_155 = arith.constant 0 : i32
    %dma_wait3A_156 = tpu.memref_slice %arg4[%dma_wait3A_154, %dma_wait3A_155] : memref<250000x128xf32, #tpu.memory_space<hbm>> -> memref<250000x128xf32, #tpu.memory_space<hbm>>
    tpu.wait_indirect_dma semaphore(%arg12 : memref<!tpu.dma_semaphore, #tpu.memory_space<semaphore_mem>>) src(%dma_wait3A_156 : memref<250000x128xf32, #tpu.memory_space<hbm>>) dst(%dma_wait3A_150 : memref<128x128xf32, #tpu.memory_space<vmem>>)
    %dma_wait3A_157 = arith.constant 3 : i32
    %dma_wait3A_158 = arith.constant 384 : i32
    %dma_wait3A_159 = arith.constant 0 : i32
    %dma_wait3A_160 = tpu.memref_slice %arg10[%dma_wait3A_158, %dma_wait3A_159] : memref<512x128xf32, #tpu.memory_space<vmem>> -> memref<128x128xf32, #tpu.memory_space<vmem>>
    %dma_wait3A_161 = arith.constant 0 : i32
    %dma_wait3A_162 = tpu.memref_slice %arg8[%dma_wait3A_157, %dma_wait3A_161] : memref<4x128xi32, #tpu.memory_space<vmem>> -> memref<1x128xi32, #tpu.memory_space<vmem>>
    %dma_wait3A_163 = tpu.memref_squeeze %dma_wait3A_162 : memref<1x128xi32, #tpu.memory_space<vmem>> -> memref<128xi32, #tpu.memory_space<vmem>>
    %dma_wait3A_164 = arith.constant 0 : i32
    %dma_wait3A_165 = arith.constant 0 : i32
    %dma_wait3A_166 = tpu.memref_slice %arg4[%dma_wait3A_164, %dma_wait3A_165] : memref<250000x128xf32, #tpu.memory_space<hbm>> -> memref<250000x128xf32, #tpu.memory_space<hbm>>
    tpu.wait_indirect_dma semaphore(%arg12 : memref<!tpu.dma_semaphore, #tpu.memory_space<semaphore_mem>>) src(%dma_wait3A_166 : memref<250000x128xf32, #tpu.memory_space<hbm>>) dst(%dma_wait3A_160 : memref<128x128xf32, #tpu.memory_space<vmem>>)
    %mul3A_167 = arith.constant 512 : i32
    %mul3A_168 = arith.muli %add3A, %mul3A_167 : i32
    "tpu.region"() ({
      %run_scoped3A = tpu.sem_alloc : memref<!tpu.dma_semaphore, #tpu.memory_space<semaphore_mem>>
      %dma_start3A_169 = arith.constant 0 : i32
      %dma_start3A_170 = tpu.memref_slice %arg6[%mul3A_168, %dma_start3A_169] : memref<16384x128xf32, #tpu.memory_space<hbm>> -> memref<512x128xf32, #tpu.memory_space<hbm>>
      %dma_start3A_171 = arith.constant 0 : i32
      %dma_start3A_172 = tpu.memref_slice %arg6[%mul3A_168, %dma_start3A_171] : memref<16384x128xf32, #tpu.memory_space<hbm>> -> memref<512x128xf32, #tpu.memory_space<hbm>>
      tpu.enqueue_dma source(%arg10 : memref<512x128xf32, #tpu.memory_space<vmem>>) target(%dma_start3A_172 : memref<512x128xf32, #tpu.memory_space<hbm>>) target_semaphore(%run_scoped3A : memref<!tpu.dma_semaphore, #tpu.memory_space<semaphore_mem>>)
      %dma_wait3A_173 = arith.constant 0 : i32
      %dma_wait3A_174 = tpu.memref_slice %arg6[%mul3A_168, %dma_wait3A_173] : memref<16384x128xf32, #tpu.memory_space<hbm>> -> memref<512x128xf32, #tpu.memory_space<hbm>>
      %dma_wait3A_175 = arith.constant 0 : i32
      %dma_wait3A_176 = tpu.memref_slice %arg6[%mul3A_168, %dma_wait3A_175] : memref<16384x128xf32, #tpu.memory_space<hbm>> -> memref<512x128xf32, #tpu.memory_space<hbm>>
      tpu.wait_dma2 semaphore(%run_scoped3A : memref<!tpu.dma_semaphore, #tpu.memory_space<semaphore_mem>>) src(%arg10 : memref<512x128xf32, #tpu.memory_space<vmem>>) dst(%dma_wait3A_176 : memref<512x128xf32, #tpu.memory_space<hbm>>)
      tpu.yield
    }) : () -> ()
    return
  }
}

module attributes {stable_mosaic.version = 14 : i64} {
  func.func @_tp_body(%arg0: i32, %arg1: memref<32x16384xf32, #tpu.memory_space<vmem>>, %arg2: memref<4096x128xf32, #tpu.memory_space<vmem>>, %arg3: memref<16384x32xf32, #tpu.memory_space<vmem>>) attributes {dimension_semantics = [#tpu.dimension_semantics<arbitrary>], iteration_bounds = array<i64: 62>, scalar_prefetch = 0 : i64, scratch_operands = 1 : i64, tpu.core_type = #tpu.core_type<tc>, window_params = [{transform_indices = @transform_0, window_bounds = array<i64: 32, 16384>}, {transform_indices = @transform_1, window_bounds = array<i64: 4096, 128>}]} {
    %get3A = arith.constant 0 : index
    %get3A_0 = arith.constant 0 : index
    %get3A_1 = vector.load %arg1[%get3A, %get3A_0] : memref<32x16384xf32, #tpu.memory_space<vmem>>, vector<32x16384xf32>
    %transpose3A = tpu.transpose %get3A_1, [1, 0] : vector<32x16384xf32> -> vector<16384x32xf32>
    %swap3A = arith.constant 0 : index
    %swap3A_2 = arith.constant 0 : index
    %swap3A_3 = vector.load %arg3[%swap3A, %swap3A_2] : memref<16384x32xf32, #tpu.memory_space<vmem>>, vector<16384x32xf32>
    tpu.vector_store %arg3[%swap3A, %swap3A_2], %transpose3A {strides = array<i32>} : memref<16384x32xf32, #tpu.memory_space<vmem>>, vector<16384x32xf32>,
    %get3A_4 = arith.constant 0 : index
    %get3A_5 = arith.constant 0 : index
    %get3A_6 = tpu.strided_load %arg3[%get3A_4, %get3A_5] {strides = array<i32: 4, 1>} : memref<16384x32xf32, #tpu.memory_space<vmem>>, vector<4096x32xf32>
    %get3A_7 = arith.constant 1 : index
    %get3A_8 = arith.constant 0 : index
    %get3A_9 = tpu.strided_load %arg3[%get3A_7, %get3A_8] {strides = array<i32: 4, 1>} : memref<16384x32xf32, #tpu.memory_space<vmem>>, vector<4096x32xf32>
    %get3A_10 = arith.constant 2 : index
    %get3A_11 = arith.constant 0 : index
    %get3A_12 = tpu.strided_load %arg3[%get3A_10, %get3A_11] {strides = array<i32: 4, 1>} : memref<16384x32xf32, #tpu.memory_space<vmem>>, vector<4096x32xf32>
    %get3A_13 = arith.constant 3 : index
    %get3A_14 = arith.constant 0 : index
    %get3A_15 = tpu.strided_load %arg3[%get3A_13, %get3A_14] {strides = array<i32: 4, 1>} : memref<16384x32xf32, #tpu.memory_space<vmem>>, vector<4096x32xf32>
    %concatenate3A = tpu.concatenate %get3A_6, %get3A_9, %get3A_12, %get3A_15 in 1 : vector<4096x32xf32>, vector<4096x32xf32>, vector<4096x32xf32>, vector<4096x32xf32> -> vector<4096x128xf32>
    %swap3A_16 = arith.constant 0 : index
    %swap3A_17 = arith.constant 0 : index
    %swap3A_18 = vector.load %arg2[%swap3A_16, %swap3A_17] : memref<4096x128xf32, #tpu.memory_space<vmem>>, vector<4096x128xf32>
    tpu.vector_store %arg2[%swap3A_16, %swap3A_17], %concatenate3A {strides = array<i32>} : memref<4096x128xf32, #tpu.memory_space<vmem>>, vector<4096x128xf32>,
    return
  }
  func.func @transform_0(%arg0: i32) -> (i32, i32) {
    %c0_i32 = arith.constant 0 : i32
    %c0_i32_0 = arith.constant 0 : i32
    return %c0_i32, %arg0 : i32, i32
  }
  func.func @transform_1(%arg0: i32) -> (i32, i32) {
    %c0_i32 = arith.constant 0 : i32
    %c0_i32_0 = arith.constant 0 : i32
    return %arg0, %c0_i32 : i32, i32
  }
}

module attributes {stable_mosaic.version = 14 : i64} {
  func.func @_tp_body(%arg0: i32, %arg1: memref<8x4096xf32, #tpu.memory_space<vmem>>, %arg2: memref<256x128xf32, #tpu.memory_space<vmem>>, %arg3: memref<4096x8xf32, #tpu.memory_space<vmem>>) attributes {dimension_semantics = [#tpu.dimension_semantics<arbitrary>], iteration_bounds = array<i64: 25>, scalar_prefetch = 0 : i64, scratch_operands = 1 : i64, tpu.core_type = #tpu.core_type<tc>, window_params = [{transform_indices = @transform_0, window_bounds = array<i64: 8, 4096>}, {transform_indices = @transform_1, window_bounds = array<i64: 256, 128>}]} {
    %get3A = arith.constant 0 : index
    %get3A_0 = arith.constant 0 : index
    %get3A_1 = vector.load %arg1[%get3A, %get3A_0] : memref<8x4096xf32, #tpu.memory_space<vmem>>, vector<8x4096xf32>
    %transpose3A = tpu.transpose %get3A_1, [1, 0] : vector<8x4096xf32> -> vector<4096x8xf32>
    %swap3A = arith.constant 0 : index
    %swap3A_2 = arith.constant 0 : index
    %swap3A_3 = vector.load %arg3[%swap3A, %swap3A_2] : memref<4096x8xf32, #tpu.memory_space<vmem>>, vector<4096x8xf32>
    tpu.vector_store %arg3[%swap3A, %swap3A_2], %transpose3A {strides = array<i32>} : memref<4096x8xf32, #tpu.memory_space<vmem>>, vector<4096x8xf32>,
    %get3A_4 = arith.constant 0 : index
    %get3A_5 = arith.constant 0 : index
    %get3A_6 = tpu.strided_load %arg3[%get3A_4, %get3A_5] {strides = array<i32: 16, 1>} : memref<4096x8xf32, #tpu.memory_space<vmem>>, vector<256x8xf32>
    %get3A_7 = arith.constant 1 : index
    %get3A_8 = arith.constant 0 : index
    %get3A_9 = tpu.strided_load %arg3[%get3A_7, %get3A_8] {strides = array<i32: 16, 1>} : memref<4096x8xf32, #tpu.memory_space<vmem>>, vector<256x8xf32>
    %get3A_10 = arith.constant 2 : index
    %get3A_11 = arith.constant 0 : index
    %get3A_12 = tpu.strided_load %arg3[%get3A_10, %get3A_11] {strides = array<i32: 16, 1>} : memref<4096x8xf32, #tpu.memory_space<vmem>>, vector<256x8xf32>
    %get3A_13 = arith.constant 3 : index
    %get3A_14 = arith.constant 0 : index
    %get3A_15 = tpu.strided_load %arg3[%get3A_13, %get3A_14] {strides = array<i32: 16, 1>} : memref<4096x8xf32, #tpu.memory_space<vmem>>, vector<256x8xf32>
    %get3A_16 = arith.constant 4 : index
    %get3A_17 = arith.constant 0 : index
    %get3A_18 = tpu.strided_load %arg3[%get3A_16, %get3A_17] {strides = array<i32: 16, 1>} : memref<4096x8xf32, #tpu.memory_space<vmem>>, vector<256x8xf32>
    %get3A_19 = arith.constant 5 : index
    %get3A_20 = arith.constant 0 : index
    %get3A_21 = tpu.strided_load %arg3[%get3A_19, %get3A_20] {strides = array<i32: 16, 1>} : memref<4096x8xf32, #tpu.memory_space<vmem>>, vector<256x8xf32>
    %get3A_22 = arith.constant 6 : index
    %get3A_23 = arith.constant 0 : index
    %get3A_24 = tpu.strided_load %arg3[%get3A_22, %get3A_23] {strides = array<i32: 16, 1>} : memref<4096x8xf32, #tpu.memory_space<vmem>>, vector<256x8xf32>
    %get3A_25 = arith.constant 7 : index
    %get3A_26 = arith.constant 0 : index
    %get3A_27 = tpu.strided_load %arg3[%get3A_25, %get3A_26] {strides = array<i32: 16, 1>} : memref<4096x8xf32, #tpu.memory_space<vmem>>, vector<256x8xf32>
    %get3A_28 = arith.constant 8 : index
    %get3A_29 = arith.constant 0 : index
    %get3A_30 = tpu.strided_load %arg3[%get3A_28, %get3A_29] {strides = array<i32: 16, 1>} : memref<4096x8xf32, #tpu.memory_space<vmem>>, vector<256x8xf32>
    %get3A_31 = arith.constant 9 : index
    %get3A_32 = arith.constant 0 : index
    %get3A_33 = tpu.strided_load %arg3[%get3A_31, %get3A_32] {strides = array<i32: 16, 1>} : memref<4096x8xf32, #tpu.memory_space<vmem>>, vector<256x8xf32>
    %get3A_34 = arith.constant 10 : index
    %get3A_35 = arith.constant 0 : index
    %get3A_36 = tpu.strided_load %arg3[%get3A_34, %get3A_35] {strides = array<i32: 16, 1>} : memref<4096x8xf32, #tpu.memory_space<vmem>>, vector<256x8xf32>
    %get3A_37 = arith.constant 11 : index
    %get3A_38 = arith.constant 0 : index
    %get3A_39 = tpu.strided_load %arg3[%get3A_37, %get3A_38] {strides = array<i32: 16, 1>} : memref<4096x8xf32, #tpu.memory_space<vmem>>, vector<256x8xf32>
    %get3A_40 = arith.constant 12 : index
    %get3A_41 = arith.constant 0 : index
    %get3A_42 = tpu.strided_load %arg3[%get3A_40, %get3A_41] {strides = array<i32: 16, 1>} : memref<4096x8xf32, #tpu.memory_space<vmem>>, vector<256x8xf32>
    %get3A_43 = arith.constant 13 : index
    %get3A_44 = arith.constant 0 : index
    %get3A_45 = tpu.strided_load %arg3[%get3A_43, %get3A_44] {strides = array<i32: 16, 1>} : memref<4096x8xf32, #tpu.memory_space<vmem>>, vector<256x8xf32>
    %get3A_46 = arith.constant 14 : index
    %get3A_47 = arith.constant 0 : index
    %get3A_48 = tpu.strided_load %arg3[%get3A_46, %get3A_47] {strides = array<i32: 16, 1>} : memref<4096x8xf32, #tpu.memory_space<vmem>>, vector<256x8xf32>
    %get3A_49 = arith.constant 15 : index
    %get3A_50 = arith.constant 0 : index
    %get3A_51 = tpu.strided_load %arg3[%get3A_49, %get3A_50] {strides = array<i32: 16, 1>} : memref<4096x8xf32, #tpu.memory_space<vmem>>, vector<256x8xf32>
    %concatenate3A = tpu.concatenate %get3A_6, %get3A_9, %get3A_12, %get3A_15, %get3A_18, %get3A_21, %get3A_24, %get3A_27, %get3A_30, %get3A_33, %get3A_36, %get3A_39, %get3A_42, %get3A_45, %get3A_48, %get3A_51 in 1 : vector<256x8xf32>, vector<256x8xf32>, vector<256x8xf32>, vector<256x8xf32>, vector<256x8xf32>, vector<256x8xf32>, vector<256x8xf32>, vector<256x8xf32>, vector<256x8xf32>, vector<256x8xf32>, vector<256x8xf32>, vector<256x8xf32>, vector<256x8xf32>, vector<256x8xf32>, vector<256x8xf32>, vector<256x8xf32> -> vector<256x128xf32>
    %swap3A_52 = arith.constant 0 : index
    %swap3A_53 = arith.constant 0 : index
    %swap3A_54 = vector.load %arg2[%swap3A_52, %swap3A_53] : memref<256x128xf32, #tpu.memory_space<vmem>>, vector<256x128xf32>
    tpu.vector_store %arg2[%swap3A_52, %swap3A_53], %concatenate3A {strides = array<i32>} : memref<256x128xf32, #tpu.memory_space<vmem>>, vector<256x128xf32>,
    return
  }
  func.func @transform_0(%arg0: i32) -> (i32, i32) {
    %c0_i32 = arith.constant 0 : i32
    %c0_i32_0 = arith.constant 0 : i32
    return %c0_i32, %arg0 : i32, i32
  }
  func.func @transform_1(%arg0: i32) -> (i32, i32) {
    %c0_i32 = arith.constant 0 : i32
    %c0_i32_0 = arith.constant 0 : i32
    return %arg0, %c0_i32 : i32, i32
  }
}

module attributes {stable_mosaic.version = 14 : i64} {
  func.func @_mlp_body(%arg0: i32, %arg1: memref<2048x128xf32, #tpu.memory_space<vmem>>, %arg2: memref<2048x128xf32, #tpu.memory_space<vmem>>, %arg3: memref<2048x1xi32, #tpu.memory_space<vmem>>, %arg4: memref<2048x1xi32, #tpu.memory_space<vmem>>, %arg5: memref<2048x1xi32, #tpu.memory_space<vmem>>, %arg6: memref<2048x1xi32, #tpu.memory_space<vmem>>, %arg7: memref<2048x64xf32, #tpu.memory_space<vmem>>, %arg8: memref<16x4xf32, #tpu.memory_space<vmem>>, %arg9: memref<16x4xf32, #tpu.memory_space<vmem>>, %arg10: memref<128x256xf32, #tpu.memory_space<vmem>>, %arg11: memref<128x256xf32, #tpu.memory_space<vmem>>, %arg12: memref<4x256xf32, #tpu.memory_space<vmem>>, %arg13: memref<4x256xf32, #tpu.memory_space<vmem>>, %arg14: memref<64x256xf32, #tpu.memory_space<vmem>>, %arg15: memref<1x256xf32, #tpu.memory_space<vmem>>, %arg16: memref<256x128xf32, #tpu.memory_space<vmem>>, %arg17: memref<1x128xf32, #tpu.memory_space<vmem>>, %arg18: memref<128x64xf32, #tpu.memory_space<vmem>>, %arg19: memref<1x64xf32, #tpu.memory_space<vmem>>, %arg20: memref<2048x64xf32, #tpu.memory_space<vmem>>) attributes {dimension_semantics = [#tpu.dimension_semantics<arbitrary>], iteration_bounds = array<i64: 8>, scalar_prefetch = 0 : i64, scratch_operands = 0 : i64, tpu.core_type = #tpu.core_type<tc>, window_params = [{transform_indices = @transform_0, window_bounds = array<i64: 2048, 128>}, {transform_indices = @transform_1, window_bounds = array<i64: 2048, 128>}, {transform_indices = @transform_2, window_bounds = array<i64: 2048, 1>}, {transform_indices = @transform_3, window_bounds = array<i64: 2048, 1>}, {transform_indices = @transform_4, window_bounds = array<i64: 2048, 1>}, {transform_indices = @transform_5, window_bounds = array<i64: 2048, 1>}, {transform_indices = @transform_6, window_bounds = array<i64: 2048, 64>}, {pipeline_mode = #tpu.pipeline_mode<synchronous>, transform_indices = @transform_7, window_bounds = array<i64: 16, 4>}, {pipeline_mode = #tpu.pipeline_mode<synchronous>, transform_indices = @transform_8, window_bounds = array<i64: 16, 4>}, {pipeline_mode = #tpu.pipeline_mode<synchronous>, transform_indices = @transform_9, window_bounds = array<i64: 128, 256>}, {pipeline_mode = #tpu.pipeline_mode<synchronous>, transform_indices = @transform_10, window_bounds = array<i64: 128, 256>}, {pipeline_mode = #tpu.pipeline_mode<synchronous>, transform_indices = @transform_11, window_bounds = array<i64: 4, 256>}, {pipeline_mode = #tpu.pipeline_mode<synchronous>, transform_indices = @transform_12, window_bounds = array<i64: 4, 256>}, {pipeline_mode = #tpu.pipeline_mode<synchronous>, transform_indices = @transform_13, window_bounds = array<i64: 64, 256>}, {pipeline_mode = #tpu.pipeline_mode<synchronous>, transform_indices = @transform_14, window_bounds = array<i64: 1, 256>}, {pipeline_mode = #tpu.pipeline_mode<synchronous>, transform_indices = @transform_15, window_bounds = array<i64: 256, 128>}, {pipeline_mode = #tpu.pipeline_mode<synchronous>, transform_indices = @transform_16, window_bounds = array<i64: 1, 128>}, {pipeline_mode = #tpu.pipeline_mode<synchronous>, transform_indices = @transform_17, window_bounds = array<i64: 128, 64>}, {pipeline_mode = #tpu.pipeline_mode<synchronous>, transform_indices = @transform_18, window_bounds = array<i64: 1, 64>}, {transform_indices = @transform_19, window_bounds = array<i64: 2048, 64>}]} {
    %iota3A = tpu.iota {dimensions = array<i32: 1>} : vector<2048x128xi32>
    %jit3A = arith.constant 32 : i32
    %div3A = vector.broadcast %jit3A : i32 to vector<2048x128xi32>
    %div3A_0 = arith.divsi %iota3A, %div3A : vector<2048x128xi32>
    %sign3A = arith.constant 0 : i32
    %sign3A_1 = vector.broadcast %sign3A : i32 to vector<2048x128xi32>
    %sign3A_2 = arith.cmpi sgt, %iota3A, %sign3A_1 : vector<2048x128xi32>
    %sign3A_3 = arith.extui %sign3A_2 : vector<2048x128xi1> to vector<2048x128xi32>
    %sign3A_4 = arith.constant 0 : i32
    %sign3A_5 = vector.broadcast %sign3A_4 : i32 to vector<2048x128xi32>
    %sign3A_6 = arith.cmpi slt, %iota3A, %sign3A_5 : vector<2048x128xi32>
    %sign3A_7 = arith.extui %sign3A_6 : vector<2048x128xi1> to vector<2048x128xi32>
    %sign3A_8 = arith.subi %sign3A_3, %sign3A_7 : vector<2048x128xi32>
    %sign3A_9 = arith.constant 0 : i32
    %sign3A_10 = arith.cmpi sgt, %jit3A, %sign3A_9 : i32
    %sign3A_11 = arith.extui %sign3A_10 : i1 to i32
    %sign3A_12 = arith.constant 0 : i32
    %sign3A_13 = arith.cmpi slt, %jit3A, %sign3A_12 : i32
    %sign3A_14 = arith.extui %sign3A_13 : i1 to i32
    %sign3A_15 = arith.subi %sign3A_11, %sign3A_14 : i32
    %ne3A = vector.broadcast %sign3A_15 : i32 to vector<2048x128xi32>
    %ne3A_16 = arith.cmpi ne, %sign3A_8, %ne3A : vector<2048x128xi32>
    %rem3A = vector.broadcast %jit3A : i32 to vector<2048x128xi32>
    %rem3A_17 = arith.remsi %iota3A, %rem3A : vector<2048x128xi32>
    %ne3A_18 = arith.constant 0 : i32
    %ne3A_19 = vector.broadcast %ne3A_18 : i32 to vector<2048x128xi32>
    %ne3A_20 = arith.cmpi ne, %rem3A_17, %ne3A_19 : vector<2048x128xi32>
    %and3A = arith.andi %ne3A_16, %ne3A_20 : vector<2048x128xi1>
    %sub3A = arith.constant 1 : i32
    %sub3A_21 = vector.broadcast %sub3A : i32 to vector<2048x128xi32>
    %sub3A_22 = arith.subi %div3A_0, %sub3A_21 : vector<2048x128xi32>
    %select_n3A = arith.select %and3A, %sub3A_22, %div3A_0 : vector<2048x128xi1>, vector<2048x128xi32>
    %get3A = arith.constant 0 : index
    %get3A_23 = arith.constant 0 : index
    %get3A_24 = vector.load %arg3[%get3A, %get3A_23] : memref<2048x1xi32, #tpu.memory_space<vmem>>, vector<2048x1xi32>
    %eq3A = vector.broadcast %get3A_24 : vector<2048x1xi32> to vector<2048x128xi32>
    %eq3A_25 = arith.cmpi eq, %select_n3A, %eq3A : vector<2048x128xi32>
    %convert_element_type3A = arith.extui %eq3A_25 : vector<2048x128xi1> to vector<2048x128xi32>
    %convert_element_type3A_26 = arith.sitofp %convert_element_type3A : vector<2048x128xi32> to vector<2048x128xf32>
    %iota3A_27 = tpu.iota {dimensions = array<i32: 1>} : vector<2048x128xi32>
    %jit3A_28 = arith.constant 8 : i32
    %div3A_29 = vector.broadcast %jit3A_28 : i32 to vector<2048x128xi32>
    %div3A_30 = arith.divsi %iota3A_27, %div3A_29 : vector<2048x128xi32>
    %sign3A_31 = arith.constant 0 : i32
    %sign3A_32 = vector.broadcast %sign3A_31 : i32 to vector<2048x128xi32>
    %sign3A_33 = arith.cmpi sgt, %iota3A_27, %sign3A_32 : vector<2048x128xi32>
    %sign3A_34 = arith.extui %sign3A_33 : vector<2048x128xi1> to vector<2048x128xi32>
    %sign3A_35 = arith.constant 0 : i32
    %sign3A_36 = vector.broadcast %sign3A_35 : i32 to vector<2048x128xi32>
    %sign3A_37 = arith.cmpi slt, %iota3A_27, %sign3A_36 : vector<2048x128xi32>
    %sign3A_38 = arith.extui %sign3A_37 : vector<2048x128xi1> to vector<2048x128xi32>
    %sign3A_39 = arith.subi %sign3A_34, %sign3A_38 : vector<2048x128xi32>
    %sign3A_40 = arith.constant 0 : i32
    %sign3A_41 = arith.cmpi sgt, %jit3A_28, %sign3A_40 : i32
    %sign3A_42 = arith.extui %sign3A_41 : i1 to i32
    %sign3A_43 = arith.constant 0 : i32
    %sign3A_44 = arith.cmpi slt, %jit3A_28, %sign3A_43 : i32
    %sign3A_45 = arith.extui %sign3A_44 : i1 to i32
    %sign3A_46 = arith.subi %sign3A_42, %sign3A_45 : i32
    %ne3A_47 = vector.broadcast %sign3A_46 : i32 to vector<2048x128xi32>
    %ne3A_48 = arith.cmpi ne, %sign3A_39, %ne3A_47 : vector<2048x128xi32>
    %rem3A_49 = vector.broadcast %jit3A_28 : i32 to vector<2048x128xi32>
    %rem3A_50 = arith.remsi %iota3A_27, %rem3A_49 : vector<2048x128xi32>
    %ne3A_51 = arith.constant 0 : i32
    %ne3A_52 = vector.broadcast %ne3A_51 : i32 to vector<2048x128xi32>
    %ne3A_53 = arith.cmpi ne, %rem3A_50, %ne3A_52 : vector<2048x128xi32>
    %and3A_54 = arith.andi %ne3A_48, %ne3A_53 : vector<2048x128xi1>
    %sub3A_55 = arith.constant 1 : i32
    %sub3A_56 = vector.broadcast %sub3A_55 : i32 to vector<2048x128xi32>
    %sub3A_57 = arith.subi %div3A_30, %sub3A_56 : vector<2048x128xi32>
    %select_n3A_58 = arith.select %and3A_54, %sub3A_57, %div3A_30 : vector<2048x128xi1>, vector<2048x128xi32>
    %get3A_59 = arith.constant 0 : index
    %get3A_60 = arith.constant 0 : index
    %get3A_61 = vector.load %arg4[%get3A_59, %get3A_60] : memref<2048x1xi32, #tpu.memory_space<vmem>>, vector<2048x1xi32>
    %eq3A_62 = vector.broadcast %get3A_61 : vector<2048x1xi32> to vector<2048x128xi32>
    %eq3A_63 = arith.cmpi eq, %select_n3A_58, %eq3A_62 : vector<2048x128xi32>
    %convert_element_type3A_64 = arith.extui %eq3A_63 : vector<2048x128xi1> to vector<2048x128xi32>
    %convert_element_type3A_65 = arith.sitofp %convert_element_type3A_64 : vector<2048x128xi32> to vector<2048x128xf32>
    %get3A_66 = arith.constant 0 : index
    %get3A_67 = arith.constant 0 : index
    %get3A_68 = vector.load %arg5[%get3A_66, %get3A_67] : memref<2048x1xi32, #tpu.memory_space<vmem>>, vector<2048x1xi32>
    %iota3A_69 = tpu.iota {dimensions = array<i32: 1>} : vector<2048x16xi32>
    %eq3A_70 = vector.broadcast %get3A_68 : vector<2048x1xi32> to vector<2048x16xi32>
    %eq3A_71 = arith.cmpi eq, %eq3A_70, %iota3A_69 : vector<2048x16xi32>
    %convert_element_type3A_72 = arith.extui %eq3A_71 : vector<2048x16xi1> to vector<2048x16xi32>
    %convert_element_type3A_73 = arith.sitofp %convert_element_type3A_72 : vector<2048x16xi32> to vector<2048x16xf32>
    %get3A_74 = arith.constant 0 : index
    %get3A_75 = arith.constant 0 : index
    %get3A_76 = vector.load %arg6[%get3A_74, %get3A_75] : memref<2048x1xi32, #tpu.memory_space<vmem>>, vector<2048x1xi32>
    %iota3A_77 = tpu.iota {dimensions = array<i32: 1>} : vector<2048x16xi32>
    %eq3A_78 = vector.broadcast %get3A_76 : vector<2048x1xi32> to vector<2048x16xi32>
    %eq3A_79 = arith.cmpi eq, %eq3A_78, %iota3A_77 : vector<2048x16xi32>
    %convert_element_type3A_80 = arith.extui %eq3A_79 : vector<2048x16xi1> to vector<2048x16xi32>
    %convert_element_type3A_81 = arith.sitofp %convert_element_type3A_80 : vector<2048x16xi32> to vector<2048x16xf32>
    %get3A_82 = arith.constant 0 : index
    %get3A_83 = arith.constant 0 : index
    %get3A_84 = vector.load %arg8[%get3A_82, %get3A_83] : memref<16x4xf32, #tpu.memory_space<vmem>>, vector<16x4xf32>
    %get3A_85 = arith.constant 0 : index
    %get3A_86 = arith.constant 0 : index
    %get3A_87 = vector.load %arg12[%get3A_85, %get3A_86] : memref<4x256xf32, #tpu.memory_space<vmem>>, vector<4x256xf32>
    %dot_general3A = arith.constant dense<0.000000e+00> : vector<16x256xf32>
    %dot_general3A_88 = tpu.matmul %get3A_84, %get3A_87, %dot_general3A {dimension_numbers = #tpu.dot_dimension_numbers<[1], [0], [0], [1], [0, 0, 1, 1], [], []>, transpose_lhs_hint = false} : vector<16x4xf32>, vector<4x256xf32>, vector<16x256xf32> -> vector<16x256xf32>
    %get3A_89 = arith.constant 0 : index
    %get3A_90 = arith.constant 0 : index
    %get3A_91 = vector.load %arg9[%get3A_89, %get3A_90] : memref<16x4xf32, #tpu.memory_space<vmem>>, vector<16x4xf32>
    %get3A_92 = arith.constant 0 : index
    %get3A_93 = arith.constant 0 : index
    %get3A_94 = vector.load %arg13[%get3A_92, %get3A_93] : memref<4x256xf32, #tpu.memory_space<vmem>>, vector<4x256xf32>
    %dot_general3A_95 = arith.constant dense<0.000000e+00> : vector<16x256xf32>
    %dot_general3A_96 = tpu.matmul %get3A_91, %get3A_94, %dot_general3A_95 {dimension_numbers = #tpu.dot_dimension_numbers<[1], [0], [0], [1], [0, 0, 1, 1], [], []>, transpose_lhs_hint = false} : vector<16x4xf32>, vector<4x256xf32>, vector<16x256xf32> -> vector<16x256xf32>
    %get3A_97 = arith.constant 0 : index
    %get3A_98 = arith.constant 0 : index
    %get3A_99 = vector.load %arg1[%get3A_97, %get3A_98] : memref<2048x128xf32, #tpu.memory_space<vmem>>, vector<2048x128xf32>
    %mul3A = arith.mulf %get3A_99, %convert_element_type3A_26 : vector<2048x128xf32>
    %get3A_100 = arith.constant 0 : index
    %get3A_101 = arith.constant 0 : index
    %get3A_102 = vector.load %arg10[%get3A_100, %get3A_101] : memref<128x256xf32, #tpu.memory_space<vmem>>, vector<128x256xf32>
    %dot_general3A_103 = arith.constant dense<0.000000e+00> : vector<2048x256xf32>
    %dot_general3A_104 = tpu.matmul %mul3A, %get3A_102, %dot_general3A_103 {dimension_numbers = #tpu.dot_dimension_numbers<[1], [0], [0], [1], [0, 0, 1, 1], [], []>, transpose_lhs_hint = false} : vector<2048x128xf32>, vector<128x256xf32>, vector<2048x256xf32> -> vector<2048x256xf32>
    %get3A_105 = arith.constant 0 : index
    %get3A_106 = arith.constant 0 : index
    %get3A_107 = vector.load %arg2[%get3A_105, %get3A_106] : memref<2048x128xf32, #tpu.memory_space<vmem>>, vector<2048x128xf32>
    %mul3A_108 = arith.mulf %get3A_107, %convert_element_type3A_65 : vector<2048x128xf32>
    %get3A_109 = arith.constant 0 : index
    %get3A_110 = arith.constant 0 : index
    %get3A_111 = vector.load %arg11[%get3A_109, %get3A_110] : memref<128x256xf32, #tpu.memory_space<vmem>>, vector<128x256xf32>
    %dot_general3A_112 = arith.constant dense<0.000000e+00> : vector<2048x256xf32>
    %dot_general3A_113 = tpu.matmul %mul3A_108, %get3A_111, %dot_general3A_112 {dimension_numbers = #tpu.dot_dimension_numbers<[1], [0], [0], [1], [0, 0, 1, 1], [], []>, transpose_lhs_hint = false} : vector<2048x128xf32>, vector<128x256xf32>, vector<2048x256xf32> -> vector<2048x256xf32>
    %add3A = arith.addf %dot_general3A_104, %dot_general3A_113 : vector<2048x256xf32>
    %get3A_114 = arith.constant 0 : index
    %get3A_115 = arith.constant 0 : index
    %get3A_116 = vector.load %arg7[%get3A_114, %get3A_115] : memref<2048x64xf32, #tpu.memory_space<vmem>>, vector<2048x64xf32>
    %get3A_117 = arith.constant 0 : index
    %get3A_118 = arith.constant 0 : index
    %get3A_119 = vector.load %arg14[%get3A_117, %get3A_118] : memref<64x256xf32, #tpu.memory_space<vmem>>, vector<64x256xf32>
    %dot_general3A_120 = arith.constant dense<0.000000e+00> : vector<2048x256xf32>
    %dot_general3A_121 = tpu.matmul %get3A_116, %get3A_119, %dot_general3A_120 {dimension_numbers = #tpu.dot_dimension_numbers<[1], [0], [0], [1], [0, 0, 1, 1], [], []>, transpose_lhs_hint = false} : vector<2048x64xf32>, vector<64x256xf32>, vector<2048x256xf32> -> vector<2048x256xf32>
    %add3A_122 = arith.addf %add3A, %dot_general3A_121 : vector<2048x256xf32>
    %dot_general3A_123 = arith.constant dense<0.000000e+00> : vector<2048x256xf32>
    %dot_general3A_124 = tpu.matmul %convert_element_type3A_73, %dot_general3A_88, %dot_general3A_123 {dimension_numbers = #tpu.dot_dimension_numbers<[1], [0], [0], [1], [0, 0, 1, 1], [], []>, transpose_lhs_hint = false} : vector<2048x16xf32>, vector<16x256xf32>, vector<2048x256xf32> -> vector<2048x256xf32>
    %add3A_125 = arith.addf %add3A_122, %dot_general3A_124 : vector<2048x256xf32>
    %dot_general3A_126 = arith.constant dense<0.000000e+00> : vector<2048x256xf32>
    %dot_general3A_127 = tpu.matmul %convert_element_type3A_81, %dot_general3A_96, %dot_general3A_126 {dimension_numbers = #tpu.dot_dimension_numbers<[1], [0], [0], [1], [0, 0, 1, 1], [], []>, transpose_lhs_hint = false} : vector<2048x16xf32>, vector<16x256xf32>, vector<2048x256xf32> -> vector<2048x256xf32>
    %add3A_128 = arith.addf %add3A_125, %dot_general3A_127 : vector<2048x256xf32>
    %get3A_129 = arith.constant 0 : index
    %get3A_130 = arith.constant 0 : index
    %get3A_131 = vector.load %arg15[%get3A_129, %get3A_130] : memref<1x256xf32, #tpu.memory_space<vmem>>, vector<1x256xf32>
    %add3A_132 = vector.broadcast %get3A_131 : vector<1x256xf32> to vector<2048x256xf32>
    %add3A_133 = arith.addf %add3A_128, %add3A_132 : vector<2048x256xf32>
    %max3A = arith.constant 0.000000e+00 : f32
    %max3A_134 = vector.broadcast %max3A : f32 to vector<2048x256xf32>
    %max3A_135 = arith.maximumf %add3A_133, %max3A_134 : vector<2048x256xf32>
    %get3A_136 = arith.constant 0 : index
    %get3A_137 = arith.constant 0 : index
    %get3A_138 = vector.load %arg16[%get3A_136, %get3A_137] : memref<256x128xf32, #tpu.memory_space<vmem>>, vector<256x128xf32>
    %dot_general3A_139 = arith.constant dense<0.000000e+00> : vector<2048x128xf32>
    %dot_general3A_140 = tpu.matmul %max3A_135, %get3A_138, %dot_general3A_139 {dimension_numbers = #tpu.dot_dimension_numbers<[1], [0], [0], [1], [0, 0, 1, 1], [], []>, transpose_lhs_hint = false} : vector<2048x256xf32>, vector<256x128xf32>, vector<2048x128xf32> -> vector<2048x128xf32>
    %get3A_141 = arith.constant 0 : index
    %get3A_142 = arith.constant 0 : index
    %get3A_143 = vector.load %arg17[%get3A_141, %get3A_142] : memref<1x128xf32, #tpu.memory_space<vmem>>, vector<1x128xf32>
    %add3A_144 = vector.broadcast %get3A_143 : vector<1x128xf32> to vector<2048x128xf32>
    %add3A_145 = arith.addf %dot_general3A_140, %add3A_144 : vector<2048x128xf32>
    %max3A_146 = arith.constant 0.000000e+00 : f32
    %max3A_147 = vector.broadcast %max3A_146 : f32 to vector<2048x128xf32>
    %max3A_148 = arith.maximumf %add3A_145, %max3A_147 : vector<2048x128xf32>
    %get3A_149 = arith.constant 0 : index
    %get3A_150 = arith.constant 0 : index
    %get3A_151 = vector.load %arg18[%get3A_149, %get3A_150] : memref<128x64xf32, #tpu.memory_space<vmem>>, vector<128x64xf32>
    %dot_general3A_152 = arith.constant dense<0.000000e+00> : vector<2048x64xf32>
    %dot_general3A_153 = tpu.matmul %max3A_148, %get3A_151, %dot_general3A_152 {dimension_numbers = #tpu.dot_dimension_numbers<[1], [0], [0], [1], [0, 0, 1, 1], [], []>, transpose_lhs_hint = false} : vector<2048x128xf32>, vector<128x64xf32>, vector<2048x64xf32> -> vector<2048x64xf32>
    %get3A_154 = arith.constant 0 : index
    %get3A_155 = arith.constant 0 : index
    %get3A_156 = vector.load %arg19[%get3A_154, %get3A_155] : memref<1x64xf32, #tpu.memory_space<vmem>>, vector<1x64xf32>
    %add3A_157 = vector.broadcast %get3A_156 : vector<1x64xf32> to vector<2048x64xf32>
    %add3A_158 = arith.addf %dot_general3A_153, %add3A_157 : vector<2048x64xf32>
    %mul3A_159 = arith.mulf %add3A_158, %add3A_158 : vector<2048x64xf32>
    %reduce_sum3A = arith.constant dense<0.000000e+00> : vector<2048xf32>
    %reduce_sum3A_160 = vector.multi_reduction <add>, %mul3A_159, %reduce_sum3A [1] : vector<2048x64xf32> to vector<2048xf32>
    %broadcast_in_dim3A = vector.shape_cast %reduce_sum3A_160 : vector<2048xf32> to vector<2048x1xf32>
    %max3A_161 = arith.constant 1.000000e-24 : f32
    %max3A_162 = vector.broadcast %max3A_161 : f32 to vector<2048x1xf32>
    %max3A_163 = arith.maximumf %broadcast_in_dim3A, %max3A_162 : vector<2048x1xf32>
    %rsqrt3A = math.rsqrt %max3A_163 : vector<2048x1xf32>
    %mul3A_164 = vector.broadcast %rsqrt3A : vector<2048x1xf32> to vector<2048x64xf32>
    %mul3A_165 = arith.mulf %add3A_158, %mul3A_164 : vector<2048x64xf32>
    %swap3A = arith.constant 0 : index
    %swap3A_166 = arith.constant 0 : index
    %swap3A_167 = vector.load %arg20[%swap3A, %swap3A_166] : memref<2048x64xf32, #tpu.memory_space<vmem>>, vector<2048x64xf32>
    tpu.vector_store %arg20[%swap3A, %swap3A_166], %mul3A_165 {strides = array<i32>} : memref<2048x64xf32, #tpu.memory_space<vmem>>, vector<2048x64xf32>,
    return
  }
  func.func @transform_0(%arg0: i32) -> (i32, i32) {
    %c0_i32 = arith.constant 0 : i32
    %c0_i32_0 = arith.constant 0 : i32
    return %arg0, %c0_i32 : i32, i32
  }
  func.func @transform_1(%arg0: i32) -> (i32, i32) {
    %c0_i32 = arith.constant 0 : i32
    %c0_i32_0 = arith.constant 0 : i32
    return %arg0, %c0_i32 : i32, i32
  }
  func.func @transform_2(%arg0: i32) -> (i32, i32) {
    %c0_i32 = arith.constant 0 : i32
    %c0_i32_0 = arith.constant 0 : i32
    return %arg0, %c0_i32 : i32, i32
  }
  func.func @transform_3(%arg0: i32) -> (i32, i32) {
    %c0_i32 = arith.constant 0 : i32
    %c0_i32_0 = arith.constant 0 : i32
    return %arg0, %c0_i32 : i32, i32
  }
  func.func @transform_4(%arg0: i32) -> (i32, i32) {
    %c0_i32 = arith.constant 0 : i32
    %c0_i32_0 = arith.constant 0 : i32
    return %arg0, %c0_i32 : i32, i32
  }
  func.func @transform_5(%arg0: i32) -> (i32, i32) {
    %c0_i32 = arith.constant 0 : i32
    %c0_i32_0 = arith.constant 0 : i32
    return %arg0, %c0_i32 : i32, i32
  }
  func.func @transform_6(%arg0: i32) -> (i32, i32) {
    %c0_i32 = arith.constant 0 : i32
    %c0_i32_0 = arith.constant 0 : i32
    return %arg0, %c0_i32 : i32, i32
  }
  func.func @transform_7(%arg0: i32) -> (i32, i32) {
    %c0_i32 = arith.constant 0 : i32
    %c0_i32_0 = arith.constant 0 : i32
    %c0_i32_1 = arith.constant 0 : i32
    return %c0_i32, %c0_i32_0 : i32, i32
  }
  func.func @transform_8(%arg0: i32) -> (i32, i32) {
    %c0_i32 = arith.constant 0 : i32
    %c0_i32_0 = arith.constant 0 : i32
    %c0_i32_1 = arith.constant 0 : i32
    return %c0_i32, %c0_i32_0 : i32, i32
  }
  func.func @transform_9(%arg0: i32) -> (i32, i32) {
    %c0_i32 = arith.constant 0 : i32
    %c0_i32_0 = arith.constant 0 : i32
    %c0_i32_1 = arith.constant 0 : i32
    return %c0_i32, %c0_i32_0 : i32, i32
  }
  func.func @transform_10(%arg0: i32) -> (i32, i32) {
    %c0_i32 = arith.constant 0 : i32
    %c0_i32_0 = arith.constant 0 : i32
    %c0_i32_1 = arith.constant 0 : i32
    return %c0_i32, %c0_i32_0 : i32, i32
  }
  func.func @transform_11(%arg0: i32) -> (i32, i32) {
    %c0_i32 = arith.constant 0 : i32
    %c0_i32_0 = arith.constant 0 : i32
    %c0_i32_1 = arith.constant 0 : i32
    return %c0_i32, %c0_i32_0 : i32, i32
  }
  func.func @transform_12(%arg0: i32) -> (i32, i32) {
    %c0_i32 = arith.constant 0 : i32
    %c0_i32_0 = arith.constant 0 : i32
    %c0_i32_1 = arith.constant 0 : i32
    return %c0_i32, %c0_i32_0 : i32, i32
  }
  func.func @transform_13(%arg0: i32) -> (i32, i32) {
    %c0_i32 = arith.constant 0 : i32
    %c0_i32_0 = arith.constant 0 : i32
    %c0_i32_1 = arith.constant 0 : i32
    return %c0_i32, %c0_i32_0 : i32, i32
  }
  func.func @transform_14(%arg0: i32) -> (i32, i32) {
    %c0_i32 = arith.constant 0 : i32
    %c0_i32_0 = arith.constant 0 : i32
    %c0_i32_1 = arith.constant 0 : i32
    return %c0_i32, %c0_i32_0 : i32, i32
  }
  func.func @transform_15(%arg0: i32) -> (i32, i32) {
    %c0_i32 = arith.constant 0 : i32
    %c0_i32_0 = arith.constant 0 : i32
    %c0_i32_1 = arith.constant 0 : i32
    return %c0_i32, %c0_i32_0 : i32, i32
  }
  func.func @transform_16(%arg0: i32) -> (i32, i32) {
    %c0_i32 = arith.constant 0 : i32
    %c0_i32_0 = arith.constant 0 : i32
    %c0_i32_1 = arith.constant 0 : i32
    return %c0_i32, %c0_i32_0 : i32, i32
  }
  func.func @transform_17(%arg0: i32) -> (i32, i32) {
    %c0_i32 = arith.constant 0 : i32
    %c0_i32_0 = arith.constant 0 : i32
    %c0_i32_1 = arith.constant 0 : i32
    return %c0_i32, %c0_i32_0 : i32, i32
  }
  func.func @transform_18(%arg0: i32) -> (i32, i32) {
    %c0_i32 = arith.constant 0 : i32
    %c0_i32_0 = arith.constant 0 : i32
    %c0_i32_1 = arith.constant 0 : i32
    return %c0_i32, %c0_i32_0 : i32, i32
  }
  func.func @transform_19(%arg0: i32) -> (i32, i32) {
    %c0_i32 = arith.constant 0 : i32
    %c0_i32_0 = arith.constant 0 : i32
    return %arg0, %c0_i32 : i32, i32
  }
}

</mosaic_0001>

<sc_bundles>
// kernel: kernel.6.cloned.1.call-start
scs
__scs_entry_jumppad:
0x0: {  	(pc) =	sbr.rel $0x88, $3  }
0x1: {  	(tag) =	ssettag $0x0;
	lr =	simm.s32 $0x1  }
0x2: {  	[smem:$0x3F92] =	sst lr;
	_ =	strace $0xD0000000  }
0x3: {  	_ = 	snop  }
0x4: {  	_ = 	snop  }
0x5: {  	_ = 	snop  }
0x6: {  	_ = 	snop  }
0x7: {  	_ = 	snop  }
__scs_overlays_trampoline_lowered:
0x8: {  	[smem:$0x3FA1] =	sst s0  }
0x9: {  	[smem:$0x3FA2] =	sst s1  }
0xa: {  	[smem:$0x3FA3] =	sst s2  }
0xb: {  	[smem:$0x3FA4] =	sst s3  }
0xc: {  	[smem:$0x3FA5] =	sst s4  }
0xd: {  	[smem:$0x3FA6] =	sst s5  }
0xe: {  	[smem:$0x3FA7] =	sst s6  }
0xf: {  	[smem:$0x3FA8] =	sst s7  }
0x10: {  	[smem:$0x3FA9] =	sst s8  }
0x11: {  	[smem:$0x3FAA] =	sst s9;
	s0 =	simm.s32 @!p0 $0x0  }
0x12: {  	s1 =	sld [smem:$0x3F90];
	s0 =	simm.s32 @p0 $0x1  }
0x13: {  	[smem:$0x3FAB] =	sst s0;
	s0 =	simm.s32 @!p1 $0x0  }
0x14: {  	s2 =	sld [smem:$0x3F8F];
	s0 =	simm.s32 @p1 $0x1  }
0x15: {  	[smem:$0x3FAC] =	sst s0;
	s0 =	simm.s32 @!p2 $0x0  }
0x16: {  	s3 =	sld [smem:$0x3FDB];
	s0 =	simm.s32 @p2 $0x1  }
0x17: {  	s4 =	simm.s32 $0x1BF5;
	[smem:$0x3FAE] =	sst s0  }
0x18: {  	s0 =	sld [smem:$0x3F91];
	_ =	swait.ge [sflag:s4], $0x0  }
0x19: {  	s7 =	sld [smem:$0x3F92]  }
0x1a: {  	s8 =	sadd.s32 $0xFFFFE003, lr  }
0x1b: {  	s9 =	sadd.s32 $0xFFFFFEF7, lr;
	s5 =	simm.s32 $0xFFFFFFFF;
	p2 =	slt.u32 s8, $0xFFFFF086  }
0x1c: {  	p1 =	slt.u32 s9, $0xF7A;
	s5 =	simm.s32 @!p2 $0x0  }
0x1d: {  	s5 =	simm.s32 @p1 $0x1;
	p0 =	seq.s32 s7, s2  }
0x1e: {  	s7 =	smul.u32 @!p0 $0xF7A, s2;
	p2 =	seq.s32 @!p0 s5, $0x0  }
0x1f: {  	s9 =	smul.u32 $0xF7A, s1;
	s8 =	simm.s32 @!p0 $0x1BF5;
	p2 =	por !p2, p0  }
0x20: {  	[sflag:s8] =	ssyncset.s32 @!p0 $0xFFFFF086;
	s6 =	sadd.s32 @!p0 s3, s7;
	s7 =	simm.s32 @!p0 $0x108  }
0x21: {  	s3 =	sadd.s32 s3, s9;
	s6 =	sadd.s32 @!p0 $0x88, s6;
	s7 =	simm.s32 @p2 $0x1082  }
0x22: {  	[simem:s7], [sflag:s8] =	dma.local @!p0 [hbm:s6], $0xF7A  }
0x23: {  	s9 =	sor.u32 $0xD0000000, s2;
	s6 =	simm.s32 $0x108;
	_ =	swait.ge @!p0 [sflag:s8], $0x0  }
0x24: {  	s3 =	sadd.s32 $0x88, s3;
	s6 =	simm.s32 @!p1 $0x1082;
	[sflag:s4] =	ssyncset.s32 $0xFFFFF086  }
0x25: {  	[simem:s6], [sflag:s4] =	dma.local [hbm:s3], $0xF7A  }
0x26: {  	[smem:$0x3F92] =	sst s1;
	(tag) =	ssettag s2;
	_ =	strace s9  }
0x27: {  	s1 =	sld [smem:$0x3FA2]  }
0x28: {  	s2 =	sld [smem:$0x3FA3]  }
0x29: {  	s4 =	sld [smem:$0x3FA5]  }
0x2a: {  	p0 =	seq.s32 s5, $0x0;
	s5 =	sld [smem:$0x3FA6]  }
0x2b: {  	s6 =	sld [smem:$0x3FA7]  }
0x2c: {  	s7 =	sld [smem:$0x3FA8]  }
0x2d: {  	s3 =	simm.s32 $0x108;
	s8 =	sld [smem:$0x3FA9]  }
0x2e: {  	s3 =	simm.s32 @!p0 $0x1082;
	s9 =	sld [smem:$0x3FAA]  }
0x2f: {  	lr =	sadd.s32 s0, s3;
	s0 =	sld [smem:$0x3FA1]  }
0x30: {  	s3 =	sld [smem:$0x3FA4]  }
0x31: {  	[smem:$0x3FAD] =	sst s10  }
0x32: {  	s10 =	sld [smem:$0x3FAB];
	_ =	sdelay $0x3  }
0x33: {  	p0 =	seq.s32 s10, $0x1;
	s10 =	sld [smem:$0x3FAD];
	_ =	sdelay $0x3  }
0x34: {  	[smem:$0x3FAD] =	sst s10  }
0x35: {  	s10 =	sld [smem:$0x3FAC];
	_ =	sdelay $0x3  }
0x36: {  	p1 =	seq.s32 s10, $0x1;
	s10 =	sld [smem:$0x3FAD];
	_ =	sdelay $0x3  }
0x37: {  	[smem:$0x3FAD] =	sst s10  }
0x38: {  	s10 =	sld [smem:$0x3FAE]  }
0x39: {  	_ = 	snop;
	(pc) =	sbr.ind lr, $3  }
0x3a: {  	_ = 	snop  }
0x3b: {  	_ = 	snop  }
0x3c: {  	p2 =	seq.s32 s10, $0x1;
	s10 =	sld [smem:$0x3FAD]  }
0x3d: {  	_ =	shalt  }
0x3e: {  	_ =	shalt  }
0x3f: {  	_ =	shalt  }
0x40: {  	_ =	shalt  }
0x41: {  	_ =	shalt  }
0x42: {  	_ =	shalt  }
0x43: {  	_ =	shalt  }
0x44: {  	_ =	shalt  }
0x45: {  	_ =	shalt  }
0x46: {  	_ =	shalt  }
0x47: {  	_ =	shalt  }
0x48: {  	_ =	shalt  }
0x49: {  	_ =	shalt  }
0x4a: {  	_ =	shalt  }
0x4b: {  	_ =	shalt  }
0x4c: {  	_ =	shalt  }
0x4d: {  	_ =	shalt  }
0x4e: {  	_ =	shalt  }
0x4f: {  	_ =	shalt  }
0x50: {  	_ =	shalt  }
0x51: {  	_ =	shalt  }
0x52: {  	_ =	shalt  }
0x53: {  	_ =	shalt  }
0x54: {  	_ =	shalt  }
0x55: {  	_ =	shalt  }
0x56: {  	_ =	shalt  }
0x57: {  	_ =	shalt  }
0x58: {  	_ =	shalt  }
0x59: {  	_ =	shalt  }
0x5a: {  	_ =	shalt  }
0x5b: {  	_ =	shalt  }
0x5c: {  	_ =	shalt  }
0x5d: {  	_ =	shalt  }
0x5e: {  	_ =	shalt  }
0x5f: {  	_ =	shalt  }
0x60: {  	_ =	shalt  }
0x61: {  	_ =	shalt  }
0x62: {  	_ =	shalt  }
0x63: {  	_ =	shalt  }
0x64: {  	_ =	shalt  }
0x65: {  	_ =	shalt  }
0x66: {  	_ =	shalt  }
0x67: {  	_ =	shalt  }
0x68: {  	_ =	shalt  }
0x69: {  	_ =	shalt  }
0x6a: {  	_ =	shalt  }
0x6b: {  	_ =	shalt  }
0x6c: {  	_ =	shalt  }
0x6d: {  	_ =	shalt  }
0x6e: {  	_ =	shalt  }
0x6f: {  	_ =	shalt  }
0x70: {  	_ =	shalt  }
0x71: {  	_ =	shalt  }
0x72: {  	_ =	shalt  }
0x73: {  	_ =	shalt  }
0x74: {  	_ =	shalt  }
0x75: {  	_ =	shalt  }
0x76: {  	_ =	shalt  }
0x77: {  	_ =	shalt  }
0x78: {  	_ =	shalt  }
0x79: {  	_ =	shalt  }
0x7a: {  	_ =	shalt  }
0x7b: {  	_ =	shalt  }
0x7c: {  	_ =	shalt  }
0x7d: {  	_ =	shalt  }
0x7e: {  	_ =	shalt  }
0x7f: {  	_ =	shalt  }
0x80: {  	_ =	shalt  }
0x81: {  	_ =	shalt  }
0x82: {  	_ =	shalt  }
0x83: {  	_ =	shalt  }
0x84: {  	_ =	shalt  }
0x85: {  	_ =	shalt  }
0x86: {  	_ =	shalt  }
0x87: {  	_ =	shalt  }
.Lfunc_end0:
.L_simem_size_0:
called_computation_lowered:
.L_overlay_start_0:
0x88: {  	s2 =	sld [smem:$0x3FD9]  }
0x89: {  	s3 =	sld [smem:$0x3FFE];
	_ =	sdelay $0x1  }
0x8a: {  	s1 =	srdreg.scid  }
0x8b: {  	s0 =	sand.u32 $0x1, s1  }
0x8c: {  	s17 =	sshll.u32 s0, $0xA;
	s2 =	sadd.s32 s3, s2  }
0x8d: {  	s2 =	sadd.s32 s2, s17  }
0x8e: {  	[smem:$0x3FB9] =	sst s2  }
0x8f: {  	_ = 	snop  }
0x90: {  	s2 =	sld [smem:$0x3FD0];
	(tm) =	ssettm $0x1  }
0x91: {  	s18 =	sld [smem:$0x3FFB];
	_ =	sdelay $0x3  }
0x92: {  	_ =	strace s18  }
0x93: {  	s3 =	sld [smem:$0x3FFC];
	_ =	sdelay $0x3  }
0x94: {  	_ =	strace s3  }
0x95: {  	s3 =	sld [smem:$0x3FFD];
	_ =	sdelay $0x3  }
0x96: {  	_ =	strace s3  }
0x97: {  	_ =	strace $0x8FFFFFFF  }
0x98: {  	s19 =	sld [smem:$0x3FDB];
	_ =	sdelay $0x1  }
0x99: {  	s4 =	simm.s32 $_scs_section_size  }
0x9a: {  	s5 =	simm.s32 $_size__tile_overlayer_lowered;
	s6 =	simm.s32 $_tile_overlayer_lowered  }
0x9b: {  	s22 =	simm.s32 $0x1BFF;
	s21 =	sshll.u32 s6, $0x1;
	s3 =	sadd.s32 s4, s19  }
0x9c: {  	s7 =	simm.s32 $0x0;
	s20 =	sshll.u32 s5, $0x1;
	s5 =	sadd.s32 s21, s3  }
0x9d: {  	[timem:s7], [sflag:s22] =	dma.local [hbm:s5], s20  }
0x9e: {  	_ =	swait.ge [sflag:s22], s20  }
0x9f: {  	s4 =	ssub.s32 $0x0, s20;
	[sflag:s22] =	ssyncset.done $0x0  }
0xa0: {  	[sflag:s22] =	ssyncadd.s32 s4;
	_ =	sdelay $0x1  }
0xa1: {  	s23 =	simm.s32 $0x1B8B  }
0xa2: {  	_ =	swait.ge [sflag:s23], $0x1  }
0xa3: {  	[sflag:s23] =	ssyncset.done $0x0  }
0xa4: {  	s25 =	simm.s32 $0x1B8E;
	s24 =	sld [smem:$0x3FFE];
	[sflag:s23] =	ssyncadd.s32 $0xFFFFFFFF  }
0xa5: {  	s26 =	simm.s32 $execute0_lowered;
	[smem:$0x3FD2] =	sst s25  }
0xa6: {  	s5 =	sshll.u32 s26, $0x1;
	_ =	strace $0x80000046;
	[dreg:$0x1] =	wrdreg $0xFFFFFFFF  }
0xa7: {  	s28 =	simm.s32 $_size_execute0_lowered;
	s3 =	sadd.s32 s3, s5;
	[dreg:$0x0] =	wrdreg $0x0  }
0xa8: {  	s5 =	sshll.u32 s28, $0x1;
	[dreg:$0x2] =	wrdreg s3  }
0xa9: {  	[dreg:$0x3] =	wrdreg s5  }
0xaa: {  	[dreg:$0x4] =	wrdreg $0xC0  }
0xab: {  	_ =	task [dreg:s7], $0x5FFFF  }
0xac: {  	[dreg:$0x1] =	wrdreg $0xFFFFFFFF  }
0xad: {  	[dreg:$0x0] =	wrdreg $0x60  }
0xae: {  	[dreg:$0x2] =	wrdreg s24  }
0xaf: {  	[dreg:$0x3] =	wrdreg s2  }
0xb0: {  	[dreg:$0x4] =	wrdreg $0x9  }
0xb1: {  	_ =	task.clear_ibuf [dreg:s7], $0x5FFFF;
	_ =	strace $0x90000046  }
0xb2: {  	s29 =	simm.s32 $0x9;
	_ =	strace $0x80000048  }
0xb3: {  	_ =	swait.ge [sflag:s29], $0x1  }
0xb4: {  	[sflag:s29] =	ssyncadd.s32 $0xFFFFFFFF  }
0xb5: {  	_ =	strace $0x90000048  }
0xb6: {  	_ =	sfence  }
0xb7: {  	s30 =	sld [smem:$0x0];
	_ =	sdelay $0x2  }
0xb8: {  	s31 =	sshll.u32 s1, $0xD;
	s1 =	sshrl.u32 s1, $0x2  }
0xb9: {  	s3 =	sand.u32 $0x4000, s31;
	s1 =	sadd.s32 s1, s30  }
0xba: {  	s0 =	sor.u32 s3, s0;
	s1 =	sshll.u32 s1, $0x11  }
0xbb: {  	s0 =	sor.u32 s1, s0  }
0xbc: {  	s0 =	sadd.s32 $0x8F2B, s0  }
0xbd: {  	[sflag:s0] =	ssyncadd.remote.s32 $0x1  }
0xbe: {  	_ =	sfence.sel $0xFFFF  }
0xbf: {  	[dreg:$0x0] =	wrdreg $0xFFFFFFFF;
	(pc) =	sbr.abs _section_cstart, $3  }
0xc0: {  	[dreg:$0x1] =	wrdreg $0xFFFFFFFF  }
0xc1: {  	_ =	task.clear_ibuf [dreg:s7], $0x2FFFF;
	_ =	strace $0x9FFFFFFF  }
0xc2: {  	(tm) =	ssettm $0x7FFFFFFF  }
0xc3: {  	_ =	shalt  }
tec
execute0_lowered:
.L_overlay_start_1:
0x0: {  	(tag) =	ssettag $0x1  }
0x1: {  	s1 =	srdreg.scid  }
0x2: {  	s0 =	stileid.u32;
	s25 =	sand.u32 $0x1, s1  }
0x3: {  	s20 =	rddreg [dreg:$0x0];
	s30 =	sshll.u32 s0, $0xA;
	s3 =	sshll.u32 s25, $0x9  }
0x4: {  	s2 =	rddreg [dreg:$0x1];
	s21 =	sor.u32 s3, s30  }
0x5: {  	s1 =	rddreg [dreg:$0x2];
	s3 =	simm.s32 $0x0;
	s4 =	sshrl.u32 s21, $0x3  }
0x6: {  	[smem:$0x7FF] =	sst s3;
	s6 =	sadd.s32 s4, s20  }
0x7: {  	_ =	strace $0x80000047;
	s4 =	simm.s32 $0x3;
	s5 =	sadd.s32 $0x3E00, s6  }
0x8: {  	[tilespmem:s3], [sflag:$0x3] =	stream.linear.gather [hbm4b:s5+s3], $0x200, $0x38;
	[tilespmem:$0x18400] =	vst v63  }
0x9: {  	_ =	swait.ge [sflag:s4], $0x200  }
0xa: {  	[sflag:s4] =	ssyncset.done $0x0  }
0xb: {  	s7 =	simm.s32 $0x200;
	s6 =	sadd.s32 $0x4E00, s6;
	[sflag:s4] =	ssyncadd.s32 $0xFFFFFE00  }
0xc: {  	[tilespmem:s7], [sflag:$0x3] =	stream.linear.gather [hbm4b:s6+s3], $0x200, $0x38;
	[tilespmem:$0x18400] =	vst v63  }
0xd: {  	_ =	swait.ge [sflag:s4], $0x200  }
0xe: {  	s9 =	simm.s32 $0x80;
	[sflag:s4] =	ssyncset.done $0x0  }
0xf: {  	s10 =	simm.s32 $0x400;
	s8 =	sadd.s32 $0x5600, s20;
	[sflag:s4] =	ssyncadd.s32 $0xFFFFFE00  }
0x10: {  	[tilespmem:s10], [sflag:$0x1] =	stream.indirect.gather [hbm4b:s8+s9], $0x80, s3, s9, $0xb8;
	[tilespmem:$0x18400] =	vst v63  }
0x11: {  	s11 =	simm.s32 $0x4400  }
0x12: {  	[tilespmem:s11], [sflag:$0x1] =	stream.indirect.gather [hbm4b:s8+s9], $0x80, s9, s9, $0xb8;
	[tilespmem:$0x18400] =	vst v63  }
0x13: {  	s12 =	simm.s32 $0x100;
	s13 =	simm.s32 $0x8400  }
0x14: {  	[tilespmem:s13], [sflag:$0x1] =	stream.indirect.gather [hbm4b:s8+s9], $0x80, s12, s9, $0xb8;
	[tilespmem:$0x18400] =	vst v63  }
0x15: {  	s14 =	simm.s32 $0x180;
	s15 =	simm.s32 $0xC400  }
0x16: {  	[tilespmem:s15], [sflag:$0x1] =	stream.indirect.gather [hbm4b:s8+s9], $0x80, s14, s9, $0xb8;
	[tilespmem:$0x18400] =	vst v63  }
0x17: {  	s16 =	simm.s32 $0x10400  }
0x18: {  	[tilespmem:s16], [sflag:$0x2] =	stream.indirect.gather [hbm4b:s2+s9], $0x80, s7, s9, $0xb8;
	[tilespmem:$0x18400] =	vst v63  }
0x19: {  	s17 =	simm.s32 $0x280;
	s18 =	simm.s32 $0x14400;
	s19 =	simm.s32 $0x2  }
0x1a: {  	[tilespmem:s18], [sflag:$0x2] =	stream.indirect.gather [hbm4b:s2+s9], $0x80, s17, s9, $0xb8;
	[tilespmem:$0x18400] =	vst v63  }
0x1b: {  	_ =	swait.ge [sflag:s19], $0x4000  }
0x1c: {  	[sflag:s19] =	ssyncset.done $0x0  }
0x1d: {  	[sflag:s19] =	ssyncadd.s32 $0xFFFFC000  }
0x1e: {  	s21 =	sshll.u32 s21, $0x4;
	_ =	swait.ge [sflag:s19], $0x4000  }
0x1f: {  	s26 =	sadd.s32 s21, s20;
	[sflag:s19] =	ssyncset.done $0x0  }
0x20: {  	s20 =	sadd.s32 $0x416000, s26;
	[sflag:s19] =	ssyncadd.s32 $0xFFFFC000  }
0x21: {  	[hbm4b:s20+s3] =	stream.linear.scatter [tilespmem:s16], [sflag:$0x3], $0x8000, $0x38;
	[tilespmem:$0x18400] =	vst v63  }
0x22: {  	_ =	swait.ge [sflag:s4], $0x8000  }
0x23: {  	[sflag:s4] =	ssyncset.done $0x0  }
0x24: {  	s21 =	simm.s32 $0x300;
	[sflag:s4] =	ssyncadd.s32 $0xFFFF8000  }
0x25: {  	[tilespmem:s16], [sflag:$0x2] =	stream.indirect.gather [hbm4b:s2+s9], $0x80, s21, s9, $0xb8;
	[tilespmem:$0x18400] =	vst v63  }
0x26: {  	s22 =	simm.s32 $0x380  }
0x27: {  	[tilespmem:s18], [sflag:$0x2] =	stream.indirect.gather [hbm4b:s2+s9], $0x80, s22, s9, $0xb8;
	[tilespmem:$0x18400] =	vst v63  }
0x28: {  	_ =	swait.ge [sflag:s19], $0x4000  }
0x29: {  	[sflag:s19] =	ssyncset.done $0x0  }
0x2a: {  	[sflag:s19] =	ssyncadd.s32 $0xFFFFC000  }
0x2b: {  	_ =	swait.ge [sflag:s19], $0x4000  }
0x2c: {  	[sflag:s19] =	ssyncset.done $0x0  }
0x2d: {  	s23 =	sadd.s32 $0x417000, s26;
	[sflag:s19] =	ssyncadd.s32 $0xFFFFC000  }
0x2e: {  	[hbm4b:s23+s3] =	stream.linear.scatter [tilespmem:s16], [sflag:$0x3], $0x8000, $0x38;
	[tilespmem:$0x18400] =	vst v63  }
0x2f: {  	_ =	swait.ge [sflag:s4], $0x8000  }
0x30: {  	[sflag:s4] =	ssyncset.done $0x0  }
0x31: {  	s24 =	simm.s32 $0x1;
	[sflag:s4] =	ssyncadd.s32 $0xFFFF8000  }
0x32: {  	_ =	swait.ge [sflag:s24], $0x4000  }
0x33: {  	[sflag:s24] =	ssyncset.done $0x0  }
0x34: {  	[sflag:s24] =	ssyncadd.s32 $0xFFFFC000  }
0x35: {  	_ =	swait.ge [sflag:s24], $0x4000  }
0x36: {  	[sflag:s24] =	ssyncset.done $0x0  }
0x37: {  	s25 =	ssub.s32 $0x2, s25;
	[sflag:s24] =	ssyncadd.s32 $0xFFFFC000  }
0x38: {  	s28 =	sshrl.u32 s25, $0x1;
	_ =	swait.ge [sflag:s24], $0x4000  }
0x39: {  	s28 =	ssub.s32 s25, s28;
	[sflag:s24] =	ssyncset.done $0x0  }
0x3a: {  	s31 =	smax.u32 s28, $0x1;
	[sflag:s24] =	ssyncadd.s32 $0xFFFFC000  }
0x3b: {  	p0 =	sne.s32 s31, $0x1;
	_ =	swait.ge [sflag:s24], $0x4000  }
.Ltmp0:
0x3c: {  	[sflag:s24] =	ssyncset.done $0x0;
	(pc) =	sbr.rel @!p0 .LBB2_2-.Ltmp0, $4  }
0x3d: {  	s25 =	sadd.s32 $0x3D6000, s26;
	[sflag:s24] =	ssyncadd.s32 $0xFFFFC000  }
0x3e: {  	[hbm4b:s25+s3] =	stream.linear.scatter [tilespmem:s10], [sflag:$0x3], $0x10000, $0x38;
	[tilespmem:$0x18400] =	vst v63  }
0x3f: {  	_ =	swait.ge [sflag:s4], $0x10000  }
0x40: {  	s26 =	sadd.s32 $0xFFFFFFFF, s31;
	[sflag:s4] =	ssyncset.done $0x0  }
.LBB2_1:
0x41: {  	p0 =	sne.s32 s26, $0x1;
	s26 =	sadd.s32 $0xFFFFFFFF, s26;
	[sflag:s4] =	ssyncadd.s32 $0xFFFF0000  }
0x42: {  	[tilespmem:s3], [sflag:$0x3] =	stream.linear.gather [hbm4b:s5+s3], $0x200, $0x38;
	[tilespmem:$0x18400] =	vst v63  }
0x43: {  	_ =	swait.ge [sflag:s4], $0x200  }
0x44: {  	[sflag:s4] =	ssyncset.done $0x0  }
0x45: {  	[sflag:s4] =	ssyncadd.s32 $0xFFFFFE00  }
0x46: {  	[tilespmem:s7], [sflag:$0x3] =	stream.linear.gather [hbm4b:s6+s3], $0x200, $0x38;
	[tilespmem:$0x18400] =	vst v63  }
0x47: {  	_ =	swait.ge [sflag:s4], $0x200  }
0x48: {  	[sflag:s4] =	ssyncset.done $0x0  }
0x49: {  	[sflag:s4] =	ssyncadd.s32 $0xFFFFFE00  }
0x4a: {  	[tilespmem:s10], [sflag:$0x1] =	stream.indirect.gather [hbm4b:s8+s9], $0x80, s3, s9, $0xb8;
	[tilespmem:$0x18400] =	vst v63  }
0x4b: {  	_ = 	snop  }
0x4c: {  	[tilespmem:s11], [sflag:$0x1] =	stream.indirect.gather [hbm4b:s8+s9], $0x80, s9, s9, $0xb8;
	[tilespmem:$0x18400] =	vst v63  }
0x4d: {  	_ = 	snop  }
0x4e: {  	[tilespmem:s13], [sflag:$0x1] =	stream.indirect.gather [hbm4b:s8+s9], $0x80, s12, s9, $0xb8;
	[tilespmem:$0x18400] =	vst v63  }
0x4f: {  	_ = 	snop  }
0x50: {  	[tilespmem:s15], [sflag:$0x1] =	stream.indirect.gather [hbm4b:s8+s9], $0x80, s14, s9, $0xb8;
	[tilespmem:$0x18400] =	vst v63  }
0x51: {  	_ = 	snop  }
0x52: {  	[tilespmem:s16], [sflag:$0x2] =	stream.indirect.gather [hbm4b:s2+s9], $0x80, s7, s9, $0xb8;
	[tilespmem:$0x18400] =	vst v63  }
0x53: {  	_ = 	snop  }
0x54: {  	[tilespmem:s18], [sflag:$0x2] =	stream.indirect.gather [hbm4b:s2+s9], $0x80, s17, s9, $0xb8;
	[tilespmem:$0x18400] =	vst v63  }
0x55: {  	_ =	swait.ge [sflag:s19], $0x4000  }
0x56: {  	[sflag:s19] =	ssyncset.done $0x0  }
0x57: {  	[sflag:s19] =	ssyncadd.s32 $0xFFFFC000  }
0x58: {  	_ =	swait.ge [sflag:s19], $0x4000  }
0x59: {  	[sflag:s19] =	ssyncset.done $0x0  }
0x5a: {  	[sflag:s19] =	ssyncadd.s32 $0xFFFFC000  }
0x5b: {  	[hbm4b:s20+s3] =	stream.linear.scatter [tilespmem:s16], [sflag:$0x3], $0x8000, $0x38;
	[tilespmem:$0x18400] =	vst v63  }
0x5c: {  	_ =	swait.ge [sflag:s4], $0x8000  }
0x5d: {  	[sflag:s4] =	ssyncset.done $0x0  }
0x5e: {  	[sflag:s4] =	ssyncadd.s32 $0xFFFF8000  }
0x5f: {  	[tilespmem:s16], [sflag:$0x2] =	stream.indirect.gather [hbm4b:s2+s9], $0x80, s21, s9, $0xb8;
	[tilespmem:$0x18400] =	vst v63  }
0x60: {  	_ = 	snop  }
0x61: {  	[tilespmem:s18], [sflag:$0x2] =	stream.indirect.gather [hbm4b:s2+s9], $0x80, s22, s9, $0xb8;
	[tilespmem:$0x18400] =	vst v63  }
0x62: {  	_ =	swait.ge [sflag:s19], $0x4000  }
0x63: {  	[sflag:s19] =	ssyncset.done $0x0  }
0x64: {  	[sflag:s19] =	ssyncadd.s32 $0xFFFFC000  }
0x65: {  	_ =	swait.ge [sflag:s19], $0x4000  }
0x66: {  	[sflag:s19] =	ssyncset.done $0x0  }
0x67: {  	[sflag:s19] =	ssyncadd.s32 $0xFFFFC000  }
0x68: {  	[hbm4b:s23+s3] =	stream.linear.scatter [tilespmem:s16], [sflag:$0x3], $0x8000, $0x38;
	[tilespmem:$0x18400] =	vst v63  }
0x69: {  	_ =	swait.ge [sflag:s4], $0x8000  }
0x6a: {  	[sflag:s4] =	ssyncset.done $0x0  }
0x6b: {  	[sflag:s4] =	ssyncadd.s32 $0xFFFF8000  }
0x6c: {  	_ =	swait.ge [sflag:s24], $0x4000  }
0x6d: {  	[sflag:s24] =	ssyncset.done $0x0  }
0x6e: {  	[sflag:s24] =	ssyncadd.s32 $0xFFFFC000  }
0x6f: {  	_ =	swait.ge [sflag:s24], $0x4000  }
0x70: {  	[sflag:s24] =	ssyncset.done $0x0  }
0x71: {  	[sflag:s24] =	ssyncadd.s32 $0xFFFFC000  }
0x72: {  	_ =	swait.ge [sflag:s24], $0x4000  }
0x73: {  	[sflag:s24] =	ssyncset.done $0x0  }
0x74: {  	[sflag:s24] =	ssyncadd.s32 $0xFFFFC000  }
0x75: {  	_ =	swait.ge [sflag:s24], $0x4000  }
.Ltmp1:
0x76: {  	[sflag:s24] =	ssyncset.done $0x0;
	(pc) =	sbr.rel @p0 .LBB2_1-.Ltmp1, $4  }
0x77: {  	[sflag:s24] =	ssyncadd.s32 $0xFFFFC000  }
0x78: {  	[hbm4b:s25+s3] =	stream.linear.scatter [tilespmem:s10], [sflag:$0x3], $0x10000, $0x38;
	[tilespmem:$0x18400] =	vst v63  }
0x79: {  	_ =	swait.ge [sflag:s4], $0x10000  }
0x7a: {  	[sflag:s4] =	ssyncset.done $0x0  }
.LBB2_2:
0x7b: {  	[sflag:s4] =	ssyncadd.s32 $0xFFFF0000  }
0x7c: {  	_ =	sfence.sel $0x180000  }
0x7d: {  	[bflag:$0x0] =	sbarrier.arrive $0xFFFF  }
0x7e: {  	p0 =	sne.s32 s0, $0x0;
	_ =	strace $0x90000047  }
0x7f: {  	s0 =	sadd.s32 @!p0 $0x100000, s1;
	[bflag:$0x2] =	sbarrier.arrive $0xFFFF  }
0x80: {  	[sflag:s0] =	ssyncadd.tile.s32 @!p0 $0x1;
	_ =	shalt  }
.Lfunc_end2:
_tile_overlayer_lowered:
.L_overlay_start_2:
0x81: {  	(tag) =	ssettag $0x2  }
0x82: {  	s0 =	rddreg [dreg:$0x0];
	s2 =	stileid.u32  }
0x83: {  	s1 =	rddreg [dreg:$0x1];
	p0 =	sne.s32 s2, $0x0  }
0x84: {  	s3 =	rddreg [dreg:$0x2];
	[bflag:$0x3] =	sbarrier.arrive $0xFFFF;
	s2 =	simm.s32 @!p0 $0x1C03  }
0x85: {  	[timem:s3], [sflag:s2] =	dma.local @!p0 [hbm:s0], s1  }
0x86: {  	s0 =	simm.s32 @!p0 $0x3  }
0x87: {  	_ =	swait.ge @!p0 [sflag:s0], s1  }
0x88: {  	s1 =	ssub.s32 @!p0 $0x0, s1;
	[sflag:s0] =	ssyncset.done @!p0 $0x0  }
0x89: {  	[sflag:s0] =	ssyncadd.s32 @!p0 s1  }
0x8a: {  	[bflag:$0x3] =	sbarrier.arrive $0xFFFF  }
0x8b: {  	_ =	shalt  }

</sc_bundles>
